<compile_context>
chip_gen: v7x
topology: tpu7x:2x2x1
jax: 0.10.2.dev20260603
libtpu: 0.0.44.dev20260713+nightly
codegen_flags: <defaults>
</compile_context>

<pallas_src>
import functools

import jax
import jax.numpy as jnp
from jax import lax
from jax.experimental import pallas as pl
from jax.experimental.pallas import tpu as pltpu
from jax.experimental.pallas import tpu_sc as plsc

N = 10000
E = 100000
D = 32
DE = 16
DH = 128
STEPS = 2

NC = 2
NS = 16
NW = NC * NS
GCH = 128
NCH = 25
EPW = NCH * GCH
E_PAD = NW * EPW
N_ACC = 10112
RPS = N_ACC // NS
TE = 4096


@functools.lru_cache(maxsize=1)
def _sc_kernels():
    mesh = plsc.VectorSubcoreMesh(core_axis_name="c", subcore_axis_name="s")

    @functools.partial(
        pl.kernel,
        mesh=mesh,
        out_type=jax.ShapeDtypeStruct((E_PAD, D), jnp.float32),
        scratch_types=[
            pltpu.VMEM((NCH, GCH), jnp.int32),
            pltpu.VMEM((EPW, D), jnp.float32),
            pltpu.VMEM_SHARED((N_ACC, D), jnp.float32),
            pltpu.SemaphoreType.DMA,
        ],
        compiler_params=pltpu.CompilerParams(use_tc_tiling_on_sc=False),
    )
    def _sc_gather(nodes_hbm, src_hbm, hsrc_hbm, idx_v, rows_v, nodes_sh, sem):
        c = lax.axis_index("c")
        s = lax.axis_index("s")
        wid = s * NC + c
        base = wid * EPW
        pltpu.sync_copy(nodes_hbm.at[pl.ds(s * RPS, RPS)],
                        nodes_sh.at[pl.ds(s * RPS, RPS)])
        pltpu.sync_copy(src_hbm.at[wid], idx_v)
        plsc.subcore_barrier()

        def _issue(j, carry):
            pltpu.async_copy(nodes_sh.at[idx_v.at[j]],
                             rows_v.at[pl.ds(j * GCH, GCH)], sem)
            return carry

        lax.fori_loop(0, NCH, _issue, 0)

        def _drain(j, carry):
            pltpu.make_async_copy(hsrc_hbm.at[pl.ds(0, GCH)],
                                  rows_v.at[pl.ds(0, GCH)], sem).wait()
            return carry

        lax.fori_loop(0, NCH, _drain, 0)
        pltpu.sync_copy(rows_v, hsrc_hbm.at[pl.ds(base, EPW)])

    @functools.partial(
        pl.kernel,
        mesh=mesh,
        out_type=jax.ShapeDtypeStruct((NC, N_ACC, D), jnp.float32),
        scratch_types=[
            pltpu.VMEM((NCH, GCH), jnp.int32),
            pltpu.VMEM((EPW, D), jnp.float32),
            pltpu.VMEM_SHARED((N_ACC, D), jnp.float32),
            pltpu.SemaphoreType.DMA,
        ],
        compiler_params=pltpu.CompilerParams(use_tc_tiling_on_sc=False),
    )
    def _sc_scatter(msg_hbm, dst_hbm, zeros_hbm, part_hbm,
                    idx_v, rows_v, acc_sh, sem):
        c = lax.axis_index("c")
        s = lax.axis_index("s")
        wid = c * NS + s
        base = wid * EPW

        pltpu.sync_copy(zeros_hbm.at[pl.ds(s * RPS, RPS)],
                        acc_sh.at[pl.ds(s * RPS, RPS)])
        plsc.subcore_barrier()

        pltpu.sync_copy(dst_hbm.at[wid], idx_v)
        pltpu.sync_copy(msg_hbm.at[pl.ds(base, EPW)], rows_v)

        def _scat(j, carry):
            pltpu.sync_copy(rows_v.at[pl.ds(j * GCH, GCH)],
                            acc_sh.at[idx_v.at[j]], add=True)
            return carry

        lax.fori_loop(0, NCH, _scat, 0)
        plsc.subcore_barrier()

        pltpu.sync_copy(acc_sh.at[pl.ds(s * RPS, RPS)],
                        part_hbm.at[c, pl.ds(s * RPS, RPS)])

    return _sc_gather, _sc_scatter



def _msg_body(ef_ref, hs_ref, we1_ref, be1_ref, wc_ref, be2_ref, msg_ref):
    henc = jnp.maximum(
        jnp.dot(ef_ref[...], we1_ref[...], preferred_element_type=jnp.float32)
        + be1_ref[...], 0.0)
    hs4 = hs_ref[...]
    hs = jnp.concatenate([hs4[:, q * D:(q + 1) * D] for q in range(4)],
                         axis=0)
    comb = jnp.dot(jnp.concatenate([henc, hs], axis=1), wc_ref[...],
                   preferred_element_type=jnp.float32)
    ewt = comb[:, :D * D] + be2_ref[...]
    hrep = comb[:, D * D:]
    prod = (hrep[:, :512] * ewt[:, :512] + hrep[:, 512:] * ewt[:, 512:])
    prod = prod[:, :256] + prod[:, 256:]
    prod = prod[:, :128] + prod[:, 128:]
    prod = prod[:, :64] + prod[:, 64:]
    msg = prod[:, :32] + prod[:, 32:]
    Q = TE // 4
    msg_ref[...] = jnp.concatenate([msg[q * Q:(q + 1) * Q, :]
                                    for q in range(4)], axis=1)


def _msg_kernel(e_feat_p, h_src4, We1, be1, Wc, be2):
    grid = (E_PAD // TE,)
    return pl.pallas_call(
        _msg_body,
        grid=grid,
        in_specs=[
            pl.BlockSpec((TE, DE), lambda i: (i, 0)),
            pl.BlockSpec((TE // 4, 4 * D), lambda i: (i, 0)),
            pl.BlockSpec((DE, DH), lambda i: (0, 0)),
            pl.BlockSpec((1, DH), lambda i: (0, 0)),
            pl.BlockSpec((DH + D, 2 * D * D), lambda i: (0, 0)),
            pl.BlockSpec((1, D * D), lambda i: (0, 0)),
        ],
        out_specs=pl.BlockSpec((TE // 4, 4 * D), lambda i: (i, 0)),
        out_shape=jax.ShapeDtypeStruct((E_PAD // 4, 4 * D), jnp.float32),
    )(e_feat_p, h_src4, We1, be1, Wc, be2)


def _prologue_body(nf_ref, w0_ref, b0_ref, out_ref):
    out_ref[...] = jnp.maximum(
        jnp.dot(nf_ref[...], w0_ref[...], preferred_element_type=jnp.float32)
        + b0_ref[...], 0.0)


def _prologue(n_feat_acc, W0, b0):
    return pl.pallas_call(
        _prologue_body,
        out_shape=jax.ShapeDtypeStruct((N_ACC, D), jnp.float32),
    )(n_feat_acc, W0, b0)


def _update_body(pa_ref, out_ref, cb_ref, wm1_ref, wm2_ref, bm_ref,
                 o_ref):
    out = out_ref[...]
    neigh = pa_ref[0] + pa_ref[1]
    m = jnp.maximum(neigh + out + cb_ref[...], 0.0)
    o_ref[...] = (jnp.dot(m, wm1_ref[...], preferred_element_type=jnp.float32)
                  + jnp.dot(out, wm2_ref[...],
                            preferred_element_type=jnp.float32)
                  + bm_ref[...])


def _final_body(pa_ref, out_ref, cb_ref, wm1_ref, wm2_ref, bm_ref,
                init_ref, o_ref):
    out = out_ref[:N, :]
    neigh = pa_ref[0, :N, :] + pa_ref[1, :N, :]
    m = jnp.maximum(neigh + out + cb_ref[...], 0.0)
    o_ref[...] = (jnp.dot(m, wm1_ref[...], preferred_element_type=jnp.float32)
                  + jnp.dot(out, wm2_ref[...],
                            preferred_element_type=jnp.float32)
                  + bm_ref[...] + init_ref[...])


def _update(pa, out, cb, wm1, wm2, bm):
    return pl.pallas_call(
        _update_body,
        out_shape=jax.ShapeDtypeStruct((N_ACC, D), jnp.float32),
    )(pa, out, cb, wm1, wm2, bm)


def _final(pa, out, cb, wm1, wm2, bm, init):
    return pl.pallas_call(
        _final_body,
        out_shape=jax.ShapeDtypeStruct((N, D), jnp.float32),
    )(pa, out, cb, wm1, wm2, bm, init)



def kernel(edge_index, n_feat, e_feat, W0, b0, We1, be1, We2, be2, conv_bias,
           Wm, bm):
    src = edge_index[0]
    dst = edge_index[1]
    npad = E_PAD - E
    fill = (jnp.arange(npad, dtype=jnp.int32) % (N_ACC - N))
    src_p = jnp.concatenate([src, fill]).reshape(NW, NCH, GCH)
    dst_p = jnp.concatenate([dst, N + fill]).reshape(NW, NCH, GCH)
    e_feat_p = jnp.concatenate(
        [e_feat, jnp.zeros((npad, DE), jnp.float32)], axis=0)
    zeros_acc = jnp.zeros((N_ACC, D), jnp.float32)
    be1_2 = be1.reshape(1, DH)
    be2_2 = be2.reshape(1, D * D)
    cb_2 = conv_bias.reshape(1, D)
    bm_2 = bm.reshape(1, D)
    b0_2 = b0.reshape(1, D)
    wm1 = Wm[:D]
    wm2 = Wm[D:]
    P = jnp.kron(jnp.eye(D, dtype=jnp.float32), jnp.ones((1, D), jnp.float32))
    Wc = jnp.zeros((DH + D, 2 * D * D), jnp.float32)
    Wc = Wc.at[:DH, :D * D].set(We2).at[DH:, D * D:].set(P)

    ef_perm = (e_feat_p.reshape(E_PAD // TE, TE // 4, 4, DE)
               .transpose(0, 2, 1, 3).reshape(E_PAD, DE))
    n_feat_acc = jnp.concatenate(
        [n_feat, jnp.zeros((N_ACC - N, D), jnp.float32)], axis=0)
    sc_gather, sc_scatter = _sc_kernels()
    out = _prologue(n_feat_acc, W0, b0_2)
    for step in range(STEPS):
        h_src = sc_gather(out, src_p)
        msg4 = _msg_kernel(ef_perm, h_src.reshape(E_PAD // 4, 4 * D),
                           We1, be1_2, Wc, be2_2)
        parts = sc_scatter(msg4.reshape(E_PAD, D), dst_p, zeros_acc)
        if step == STEPS - 1:
            out = _final(parts, out, cb_2, wm1, wm2, bm_2, n_feat)
        else:
            out = _update(parts, out, cb_2, wm1, wm2, bm_2)
    return out

# --- scband reference (transcript-rebuilt; emitter-appended) ---
"""Pipeline reference for scband-gather-model-2035814498956 (READ-ONLY COPY).

The authoritative reference and input builder live on the scoring server;
editing this copy changes nothing except your own understanding.
"""

import jax, jax.numpy as jnp
import numpy as np

N = 10000
E = 100000
D = 32          # node_input_dim == node_hidden_dim (required: Fv = out + init)
DE = 16         # edge_input_dim
DH = 128        # edge_hidden_dim
STEPS = 2       # num_step_message_passing


def setup_inputs(seed: int = 0) -> dict:
    key = jax.random.key(seed)
    ks = jax.random.split(key, 16)
    inp = {}
    inp["edge_index"] = jax.random.randint(ks[0], (2, E), 0, N, dtype=jnp.int32)
    inp["n_feat"] = jax.random.normal(ks[1], (N, D), dtype=jnp.float32)
    inp["e_feat"] = jax.random.normal(ks[2], (E, DE), dtype=jnp.float32)
    # linear0: node_input_dim -> node_hidden_dim
    inp["W0"] = jax.random.normal(ks[3], (D, D), dtype=jnp.float32) / np.sqrt(D)
    inp["b0"] = jnp.zeros((D,), dtype=jnp.float32)
    # edge network: Linear(DE, DH) -> ReLU -> Linear(DH, D*D)
    inp["We1"] = jax.random.normal(ks[4], (DE, DH), dtype=jnp.float32) / np.sqrt(DE)
    inp["be1"] = jnp.zeros((DH,), dtype=jnp.float32)
    inp["We2"] = jax.random.normal(ks[5], (DH, D * D), dtype=jnp.float32) / np.sqrt(DH)
    inp["be2"] = jnp.zeros((D * D,), dtype=jnp.float32)
    # NNConv bias (out_feats,)
    inp["conv_bias"] = jnp.zeros((D,), dtype=jnp.float32)
    # message_layer: Linear(2*D, D)
    inp["Wm"] = jax.random.normal(ks[6], (2 * D, D), dtype=jnp.float32) / np.sqrt(2 * D)
    inp["bm"] = jnp.zeros((D,), dtype=jnp.float32)
    return inp


def reference(edge_index, n_feat, e_feat, W0, b0, We1, be1, We2, be2, conv_bias, Wm, bm):
    src = edge_index[0]
    dst = edge_index[1]
    init = n_feat
    out = jax.nn.relu(n_feat @ W0 + b0)
    for _ in range(STEPS):
        # NNConv(sum aggregator, residual=True, in==out so residual is identity)
        ew = (jax.nn.relu(e_feat @ We1 + be1) @ We2 + be2).reshape(E, D, D)
        h_src = jnp.take(out, src, axis=0)                 # gather [E, D]
        msg = jnp.einsum('ei,eio->eo', h_src, ew)          # [E, D]
        neigh = jax.ops.segment_sum(msg, dst, num_segments=N)  # scatter-add [N, D]
        rst = neigh + out + conv_bias
        m = jax.nn.relu(rst)
        out = jnp.concatenate([m, out], axis=1) @ Wm + bm
    Fv = out + init
    return Fv

if __name__ == "__main__":
    import jax
    _d = setup_inputs()
    print(jax.jit(kernel)(*tuple(_d.values())))

</pallas_src>

<mosaic_0001>
#map = affine_map<(d0, d1) -> (0, 0)>
#map1 = affine_map<(d0, d1) -> (0, 0, 0)>
module attributes {stable_mosaic.version = 14 : i64} {
  func.func @_sc_scatter(%arg0: i32, %arg1: i32, %arg2: memref<102400x32xf32, #tpu.memory_space<hbm>>, %arg3: memref<32x25x128xi32, #tpu.memory_space<hbm>>, %arg4: memref<10112x32xf32, #tpu.memory_space<hbm>>, %arg5: memref<2x10112x32xf32, #tpu.memory_space<hbm>>, %arg6: memref<25x128xi32, #tpu.memory_space<vmem>>, %arg7: memref<3200x32xf32, #tpu.memory_space<vmem>>, %arg8: memref<10112x32xf32, #tpu.memory_space<vmem_shared>>, %arg9: memref<!tpu.dma_semaphore, #tpu.memory_space<semaphore_mem>>) attributes {dimension_semantics = [#tpu.dimension_semantics<core_parallel>, #tpu.dimension_semantics<subcore_parallel>], iteration_bounds = array<i64: 2, 16>, scalar_prefetch = 0 : i64, scratch_operands = 4 : i64, tpu.core_type = #tpu.core_type<sc_vector_subcore>, window_params = [{transform_indices = #map}, {transform_indices = #map1}, {transform_indices = #map}, {transform_indices = #map1}]} {
    %mul3A = arith.constant 16 : i32
    %mul3A_0 = arith.muli %arg0, %mul3A : i32
    %add3A = arith.addi %mul3A_0, %arg1 : i32
    %mul3A_1 = arith.constant 3200 : i32
    %mul3A_2 = arith.muli %add3A, %mul3A_1 : i32
    %mul3A_3 = arith.constant 632 : i32
    %mul3A_4 = arith.muli %arg1, %mul3A_3 : i32
    %mul3A_5 = arith.constant 632 : i32
    %mul3A_6 = arith.muli %arg1, %mul3A_5 : i32
    "tpu.region"() ({
      %run_scoped3A = tpu.sem_alloc : memref<!tpu.dma_semaphore, #tpu.memory_space<semaphore_mem>>
      %dma_start3A = arith.constant 0 : i32
      %dma_start3A_17 = tpu.memref_slice %arg8[%mul3A_6, %dma_start3A] : memref<10112x32xf32, #tpu.memory_space<vmem_shared>> -> memref<632x32xf32, #tpu.memory_space<vmem_shared>>
      %dma_start3A_18 = arith.constant 0 : i32
      %dma_start3A_19 = tpu.memref_slice %arg4[%mul3A_4, %dma_start3A_18] : memref<10112x32xf32, #tpu.memory_space<hbm>> -> memref<632x32xf32, #tpu.memory_space<hbm>>
      tpu.enqueue_dma source(%dma_start3A_19 : memref<632x32xf32, #tpu.memory_space<hbm>>) target(%dma_start3A_17 : memref<632x32xf32, #tpu.memory_space<vmem_shared>>) target_semaphore(%run_scoped3A : memref<!tpu.dma_semaphore, #tpu.memory_space<semaphore_mem>>)
      %dma_wait3A = arith.constant 0 : i32
      %dma_wait3A_20 = tpu.memref_slice %arg8[%mul3A_6, %dma_wait3A] : memref<10112x32xf32, #tpu.memory_space<vmem_shared>> -> memref<632x32xf32, #tpu.memory_space<vmem_shared>>
      %dma_wait3A_21 = arith.constant 0 : i32
      %dma_wait3A_22 = tpu.memref_slice %arg4[%mul3A_4, %dma_wait3A_21] : memref<10112x32xf32, #tpu.memory_space<hbm>> -> memref<632x32xf32, #tpu.memory_space<hbm>>
      tpu.wait_dma2 semaphore(%run_scoped3A : memref<!tpu.dma_semaphore, #tpu.memory_space<semaphore_mem>>) src(%dma_wait3A_22 : memref<632x32xf32, #tpu.memory_space<hbm>>) dst(%dma_wait3A_20 : memref<632x32xf32, #tpu.memory_space<vmem_shared>>)
      tpu.yield
    }) : () -> ()
    %barrier3A = arith.constant 0 : index
    tpu.barrier barrier_id(%barrier3A)
    "tpu.region"() ({
      %run_scoped3A = tpu.sem_alloc : memref<!tpu.dma_semaphore, #tpu.memory_space<semaphore_mem>>
      %dma_start3A = arith.constant 0 : i32
      %dma_start3A_17 = arith.constant 0 : i32
      %dma_start3A_18 = tpu.memref_slice %arg3[%add3A, %dma_start3A, %dma_start3A_17] : memref<32x25x128xi32, #tpu.memory_space<hbm>> -> memref<1x25x128xi32, #tpu.memory_space<hbm>>
      %dma_start3A_19 = tpu.memref_squeeze %dma_start3A_18 : memref<1x25x128xi32, #tpu.memory_space<hbm>> -> memref<25x128xi32, #tpu.memory_space<hbm>>
      %dma_start3A_20 = arith.constant 0 : i32
      %dma_start3A_21 = arith.constant 0 : i32
      %dma_start3A_22 = tpu.memref_slice %arg3[%add3A, %dma_start3A_20, %dma_start3A_21] : memref<32x25x128xi32, #tpu.memory_space<hbm>> -> memref<1x25x128xi32, #tpu.memory_space<hbm>>
      %dma_start3A_23 = tpu.memref_squeeze %dma_start3A_22 : memref<1x25x128xi32, #tpu.memory_space<hbm>> -> memref<25x128xi32, #tpu.memory_space<hbm>>
      tpu.enqueue_dma source(%dma_start3A_23 : memref<25x128xi32, #tpu.memory_space<hbm>>) target(%arg6 : memref<25x128xi32, #tpu.memory_space<vmem>>) target_semaphore(%run_scoped3A : memref<!tpu.dma_semaphore, #tpu.memory_space<semaphore_mem>>)
      %dma_wait3A = arith.constant 0 : i32
      %dma_wait3A_24 = arith.constant 0 : i32
      %dma_wait3A_25 = tpu.memref_slice %arg3[%add3A, %dma_wait3A, %dma_wait3A_24] : memref<32x25x128xi32, #tpu.memory_space<hbm>> -> memref<1x25x128xi32, #tpu.memory_space<hbm>>
      %dma_wait3A_26 = tpu.memref_squeeze %dma_wait3A_25 : memref<1x25x128xi32, #tpu.memory_space<hbm>> -> memref<25x128xi32, #tpu.memory_space<hbm>>
      %dma_wait3A_27 = arith.constant 0 : i32
      %dma_wait3A_28 = arith.constant 0 : i32
      %dma_wait3A_29 = tpu.memref_slice %arg3[%add3A, %dma_wait3A_27, %dma_wait3A_28] : memref<32x25x128xi32, #tpu.memory_space<hbm>> -> memref<1x25x128xi32, #tpu.memory_space<hbm>>
      %dma_wait3A_30 = tpu.memref_squeeze %dma_wait3A_29 : memref<1x25x128xi32, #tpu.memory_space<hbm>> -> memref<25x128xi32, #tpu.memory_space<hbm>>
      tpu.wait_dma2 semaphore(%run_scoped3A : memref<!tpu.dma_semaphore, #tpu.memory_space<semaphore_mem>>) src(%dma_wait3A_30 : memref<25x128xi32, #tpu.memory_space<hbm>>) dst(%arg6 : memref<25x128xi32, #tpu.memory_space<vmem>>)
      tpu.yield
    }) : () -> ()
    "tpu.region"() ({
      %run_scoped3A = tpu.sem_alloc : memref<!tpu.dma_semaphore, #tpu.memory_space<semaphore_mem>>
      %dma_start3A = arith.constant 0 : i32
      %dma_start3A_17 = tpu.memref_slice %arg2[%mul3A_2, %dma_start3A] : memref<102400x32xf32, #tpu.memory_space<hbm>> -> memref<3200x32xf32, #tpu.memory_space<hbm>>
      %dma_start3A_18 = arith.constant 0 : i32
      %dma_start3A_19 = tpu.memref_slice %arg2[%mul3A_2, %dma_start3A_18] : memref<102400x32xf32, #tpu.memory_space<hbm>> -> memref<3200x32xf32, #tpu.memory_space<hbm>>
      tpu.enqueue_dma source(%dma_start3A_19 : memref<3200x32xf32, #tpu.memory_space<hbm>>) target(%arg7 : memref<3200x32xf32, #tpu.memory_space<vmem>>) target_semaphore(%run_scoped3A : memref<!tpu.dma_semaphore, #tpu.memory_space<semaphore_mem>>)
      %dma_wait3A = arith.constant 0 : i32
      %dma_wait3A_20 = tpu.memref_slice %arg2[%mul3A_2, %dma_wait3A] : memref<102400x32xf32, #tpu.memory_space<hbm>> -> memref<3200x32xf32, #tpu.memory_space<hbm>>
      %dma_wait3A_21 = arith.constant 0 : i32
      %dma_wait3A_22 = tpu.memref_slice %arg2[%mul3A_2, %dma_wait3A_21] : memref<102400x32xf32, #tpu.memory_space<hbm>> -> memref<3200x32xf32, #tpu.memory_space<hbm>>
      tpu.wait_dma2 semaphore(%run_scoped3A : memref<!tpu.dma_semaphore, #tpu.memory_space<semaphore_mem>>) src(%dma_wait3A_22 : memref<3200x32xf32, #tpu.memory_space<hbm>>) dst(%arg7 : memref<3200x32xf32, #tpu.memory_space<vmem>>)
      tpu.yield
    }) : () -> ()
    %scan3A = arith.constant 0 : i32
    %scan3A_7 = arith.constant 0 : i32
    %scan3A_8 = arith.constant 25 : i32
    %scan3A_9 = arith.addi %scan3A_7, %scan3A_8 : i32
    %scan3A_10 = arith.constant 1 : i32
    scf.for %scan3A_17 = %scan3A_7 to %scan3A_9 step %scan3A_10  : i32 {
      %mul3A_18 = arith.constant 128 : i32
      %mul3A_19 = arith.muli %scan3A_17, %mul3A_18 : i32
      "tpu.region"() ({
        %run_scoped3A = tpu.sem_alloc : memref<!tpu.dma_semaphore, #tpu.memory_space<semaphore_mem>>
        %dma_start3A = arith.constant 0 : i32
        %dma_start3A_20 = tpu.memref_slice %arg7[%mul3A_19, %dma_start3A] : memref<3200x32xf32, #tpu.memory_space<vmem>> -> memref<128x32xf32, #tpu.memory_space<vmem>>
        %dma_start3A_21 = arith.constant 0 : i32
        %dma_start3A_22 = tpu.memref_slice %arg6[%scan3A_17, %dma_start3A_21] : memref<25x128xi32, #tpu.memory_space<vmem>> -> memref<1x128xi32, #tpu.memory_space<vmem>>
        %dma_start3A_23 = tpu.memref_squeeze %dma_start3A_22 : memref<1x128xi32, #tpu.memory_space<vmem>> -> memref<128xi32, #tpu.memory_space<vmem>>
        %dma_start3A_24 = arith.constant 0 : i32
        %dma_start3A_25 = arith.constant 0 : i32
        %dma_start3A_26 = tpu.memref_slice %arg8[%dma_start3A_24, %dma_start3A_25] : memref<10112x32xf32, #tpu.memory_space<vmem_shared>> -> memref<10112x32xf32, #tpu.memory_space<vmem_shared>>
        tpu.enqueue_indirect_dma source(%dma_start3A_20 : memref<128x32xf32, #tpu.memory_space<vmem>>) target(%dma_start3A_26 : memref<10112x32xf32, #tpu.memory_space<vmem_shared>>) offsets(%dma_start3A_23 : memref<128xi32, #tpu.memory_space<vmem>>) semaphore(%run_scoped3A : memref<!tpu.dma_semaphore, #tpu.memory_space<semaphore_mem>>) {add = true}
        %dma_wait3A = arith.constant 0 : i32
        %dma_wait3A_27 = tpu.memref_slice %arg7[%mul3A_19, %dma_wait3A] : memref<3200x32xf32, #tpu.memory_space<vmem>> -> memref<128x32xf32, #tpu.memory_space<vmem>>
        %dma_wait3A_28 = arith.constant 0 : i32
        %dma_wait3A_29 = tpu.memref_slice %arg6[%scan3A_17, %dma_wait3A_28] : memref<25x128xi32, #tpu.memory_space<vmem>> -> memref<1x128xi32, #tpu.memory_space<vmem>>
        %dma_wait3A_30 = tpu.memref_squeeze %dma_wait3A_29 : memref<1x128xi32, #tpu.memory_space<vmem>> -> memref<128xi32, #tpu.memory_space<vmem>>
        %dma_wait3A_31 = arith.constant 0 : i32
        %dma_wait3A_32 = arith.constant 0 : i32
        %dma_wait3A_33 = tpu.memref_slice %arg8[%dma_wait3A_31, %dma_wait3A_32] : memref<10112x32xf32, #tpu.memory_space<vmem_shared>> -> memref<10112x32xf32, #tpu.memory_space<vmem_shared>>
        tpu.wait_indirect_dma semaphore(%run_scoped3A : memref<!tpu.dma_semaphore, #tpu.memory_space<semaphore_mem>>) src(%dma_wait3A_27 : memref<128x32xf32, #tpu.memory_space<vmem>>) dst(%dma_wait3A_33 : memref<10112x32xf32, #tpu.memory_space<vmem_shared>>)
        tpu.yield
      }) : () -> ()
    }
    %scan3A_11 = arith.constant 25 : i32
    %barrier3A_12 = arith.constant 0 : index
    tpu.barrier barrier_id(%barrier3A_12)
    %mul3A_13 = arith.constant 632 : i32
    %mul3A_14 = arith.muli %arg1, %mul3A_13 : i32
    %mul3A_15 = arith.constant 632 : i32
    %mul3A_16 = arith.muli %arg1, %mul3A_15 : i32
    "tpu.region"() ({
      %run_scoped3A = tpu.sem_alloc : memref<!tpu.dma_semaphore, #tpu.memory_space<semaphore_mem>>
      %dma_start3A = arith.constant 0 : i32
      %dma_start3A_17 = tpu.memref_slice %arg5[%arg0, %mul3A_16, %dma_start3A] : memref<2x10112x32xf32, #tpu.memory_space<hbm>> -> memref<1x632x32xf32, #tpu.memory_space<hbm>>
      %dma_start3A_18 = tpu.memref_squeeze %dma_start3A_17 : memref<1x632x32xf32, #tpu.memory_space<hbm>> -> memref<632x32xf32, #tpu.memory_space<hbm>>
      %dma_start3A_19 = arith.constant 0 : i32
      %dma_start3A_20 = tpu.memref_slice %arg8[%mul3A_14, %dma_start3A_19] : memref<10112x32xf32, #tpu.memory_space<vmem_shared>> -> memref<632x32xf32, #tpu.memory_space<vmem_shared>>
      tpu.enqueue_dma source(%dma_start3A_20 : memref<632x32xf32, #tpu.memory_space<vmem_shared>>) target(%dma_start3A_18 : memref<632x32xf32, #tpu.memory_space<hbm>>) target_semaphore(%run_scoped3A : memref<!tpu.dma_semaphore, #tpu.memory_space<semaphore_mem>>)
      %dma_wait3A = arith.constant 0 : i32
      %dma_wait3A_21 = tpu.memref_slice %arg5[%arg0, %mul3A_16, %dma_wait3A] : memref<2x10112x32xf32, #tpu.memory_space<hbm>> -> memref<1x632x32xf32, #tpu.memory_space<hbm>>
      %dma_wait3A_22 = tpu.memref_squeeze %dma_wait3A_21 : memref<1x632x32xf32, #tpu.memory_space<hbm>> -> memref<632x32xf32, #tpu.memory_space<hbm>>
      %dma_wait3A_23 = arith.constant 0 : i32
      %dma_wait3A_24 = tpu.memref_slice %arg8[%mul3A_14, %dma_wait3A_23] : memref<10112x32xf32, #tpu.memory_space<vmem_shared>> -> memref<632x32xf32, #tpu.memory_space<vmem_shared>>
      tpu.wait_dma2 semaphore(%run_scoped3A : memref<!tpu.dma_semaphore, #tpu.memory_space<semaphore_mem>>) src(%dma_wait3A_24 : memref<632x32xf32, #tpu.memory_space<vmem_shared>>) dst(%dma_wait3A_22 : memref<632x32xf32, #tpu.memory_space<hbm>>)
      tpu.yield
    }) : () -> ()
    return
  }
}

#map = affine_map<(d0, d1) -> (0, 0)>
#map1 = affine_map<(d0, d1) -> (0, 0, 0)>
module attributes {stable_mosaic.version = 14 : i64} {
  func.func @_sc_gather(%arg0: i32, %arg1: i32, %arg2: memref<10112x32xf32, #tpu.memory_space<hbm>>, %arg3: memref<32x25x128xi32, #tpu.memory_space<hbm>>, %arg4: memref<102400x32xf32, #tpu.memory_space<hbm>>, %arg5: memref<25x128xi32, #tpu.memory_space<vmem>>, %arg6: memref<3200x32xf32, #tpu.memory_space<vmem>>, %arg7: memref<10112x32xf32, #tpu.memory_space<vmem_shared>>, %arg8: memref<!tpu.dma_semaphore, #tpu.memory_space<semaphore_mem>>) attributes {dimension_semantics = [#tpu.dimension_semantics<core_parallel>, #tpu.dimension_semantics<subcore_parallel>], iteration_bounds = array<i64: 2, 16>, scalar_prefetch = 0 : i64, scratch_operands = 4 : i64, tpu.core_type = #tpu.core_type<sc_vector_subcore>, window_params = [{transform_indices = #map}, {transform_indices = #map1}, {transform_indices = #map}]} {
    %mul3A = arith.constant 2 : i32
    %mul3A_0 = arith.muli %arg1, %mul3A : i32
    %add3A = arith.addi %mul3A_0, %arg0 : i32
    %mul3A_1 = arith.constant 3200 : i32
    %mul3A_2 = arith.muli %add3A, %mul3A_1 : i32
    %mul3A_3 = arith.constant 632 : i32
    %mul3A_4 = arith.muli %arg1, %mul3A_3 : i32
    %mul3A_5 = arith.constant 632 : i32
    %mul3A_6 = arith.muli %arg1, %mul3A_5 : i32
    "tpu.region"() ({
      %run_scoped3A = tpu.sem_alloc : memref<!tpu.dma_semaphore, #tpu.memory_space<semaphore_mem>>
      %dma_start3A = arith.constant 0 : i32
      %dma_start3A_18 = tpu.memref_slice %arg7[%mul3A_6, %dma_start3A] : memref<10112x32xf32, #tpu.memory_space<vmem_shared>> -> memref<632x32xf32, #tpu.memory_space<vmem_shared>>
      %dma_start3A_19 = arith.constant 0 : i32
      %dma_start3A_20 = tpu.memref_slice %arg2[%mul3A_4, %dma_start3A_19] : memref<10112x32xf32, #tpu.memory_space<hbm>> -> memref<632x32xf32, #tpu.memory_space<hbm>>
      tpu.enqueue_dma source(%dma_start3A_20 : memref<632x32xf32, #tpu.memory_space<hbm>>) target(%dma_start3A_18 : memref<632x32xf32, #tpu.memory_space<vmem_shared>>) target_semaphore(%run_scoped3A : memref<!tpu.dma_semaphore, #tpu.memory_space<semaphore_mem>>)
      %dma_wait3A = arith.constant 0 : i32
      %dma_wait3A_21 = tpu.memref_slice %arg7[%mul3A_6, %dma_wait3A] : memref<10112x32xf32, #tpu.memory_space<vmem_shared>> -> memref<632x32xf32, #tpu.memory_space<vmem_shared>>
      %dma_wait3A_22 = arith.constant 0 : i32
      %dma_wait3A_23 = tpu.memref_slice %arg2[%mul3A_4, %dma_wait3A_22] : memref<10112x32xf32, #tpu.memory_space<hbm>> -> memref<632x32xf32, #tpu.memory_space<hbm>>
      tpu.wait_dma2 semaphore(%run_scoped3A : memref<!tpu.dma_semaphore, #tpu.memory_space<semaphore_mem>>) src(%dma_wait3A_23 : memref<632x32xf32, #tpu.memory_space<hbm>>) dst(%dma_wait3A_21 : memref<632x32xf32, #tpu.memory_space<vmem_shared>>)
      tpu.yield
    }) : () -> ()
    "tpu.region"() ({
      %run_scoped3A = tpu.sem_alloc : memref<!tpu.dma_semaphore, #tpu.memory_space<semaphore_mem>>
      %dma_start3A = arith.constant 0 : i32
      %dma_start3A_18 = arith.constant 0 : i32
      %dma_start3A_19 = tpu.memref_slice %arg3[%add3A, %dma_start3A, %dma_start3A_18] : memref<32x25x128xi32, #tpu.memory_space<hbm>> -> memref<1x25x128xi32, #tpu.memory_space<hbm>>
      %dma_start3A_20 = tpu.memref_squeeze %dma_start3A_19 : memref<1x25x128xi32, #tpu.memory_space<hbm>> -> memref<25x128xi32, #tpu.memory_space<hbm>>
      %dma_start3A_21 = arith.constant 0 : i32
      %dma_start3A_22 = arith.constant 0 : i32
      %dma_start3A_23 = tpu.memref_slice %arg3[%add3A, %dma_start3A_21, %dma_start3A_22] : memref<32x25x128xi32, #tpu.memory_space<hbm>> -> memref<1x25x128xi32, #tpu.memory_space<hbm>>
      %dma_start3A_24 = tpu.memref_squeeze %dma_start3A_23 : memref<1x25x128xi32, #tpu.memory_space<hbm>> -> memref<25x128xi32, #tpu.memory_space<hbm>>
      tpu.enqueue_dma source(%dma_start3A_24 : memref<25x128xi32, #tpu.memory_space<hbm>>) target(%arg5 : memref<25x128xi32, #tpu.memory_space<vmem>>) target_semaphore(%run_scoped3A : memref<!tpu.dma_semaphore, #tpu.memory_space<semaphore_mem>>)
      %dma_wait3A = arith.constant 0 : i32
      %dma_wait3A_25 = arith.constant 0 : i32
      %dma_wait3A_26 = tpu.memref_slice %arg3[%add3A, %dma_wait3A, %dma_wait3A_25] : memref<32x25x128xi32, #tpu.memory_space<hbm>> -> memref<1x25x128xi32, #tpu.memory_space<hbm>>
      %dma_wait3A_27 = tpu.memref_squeeze %dma_wait3A_26 : memref<1x25x128xi32, #tpu.memory_space<hbm>> -> memref<25x128xi32, #tpu.memory_space<hbm>>
      %dma_wait3A_28 = arith.constant 0 : i32
      %dma_wait3A_29 = arith.constant 0 : i32
      %dma_wait3A_30 = tpu.memref_slice %arg3[%add3A, %dma_wait3A_28, %dma_wait3A_29] : memref<32x25x128xi32, #tpu.memory_space<hbm>> -> memref<1x25x128xi32, #tpu.memory_space<hbm>>
      %dma_wait3A_31 = tpu.memref_squeeze %dma_wait3A_30 : memref<1x25x128xi32, #tpu.memory_space<hbm>> -> memref<25x128xi32, #tpu.memory_space<hbm>>
      tpu.wait_dma2 semaphore(%run_scoped3A : memref<!tpu.dma_semaphore, #tpu.memory_space<semaphore_mem>>) src(%dma_wait3A_31 : memref<25x128xi32, #tpu.memory_space<hbm>>) dst(%arg5 : memref<25x128xi32, #tpu.memory_space<vmem>>)
      tpu.yield
    }) : () -> ()
    %barrier3A = arith.constant 0 : index
    tpu.barrier barrier_id(%barrier3A)
    %scan3A = arith.constant 0 : i32
    %scan3A_7 = arith.constant 0 : i32
    %scan3A_8 = arith.constant 25 : i32
    %scan3A_9 = arith.addi %scan3A_7, %scan3A_8 : i32
    %scan3A_10 = arith.constant 1 : i32
    scf.for %scan3A_18 = %scan3A_7 to %scan3A_9 step %scan3A_10  : i32 {
      %mul3A_19 = arith.constant 128 : i32
      %mul3A_20 = arith.muli %scan3A_18, %mul3A_19 : i32
      %dma_start3A = arith.constant 0 : i32
      %dma_start3A_21 = tpu.memref_slice %arg6[%mul3A_20, %dma_start3A] : memref<3200x32xf32, #tpu.memory_space<vmem>> -> memref<128x32xf32, #tpu.memory_space<vmem>>
      %dma_start3A_22 = arith.constant 0 : i32
      %dma_start3A_23 = tpu.memref_slice %arg5[%scan3A_18, %dma_start3A_22] : memref<25x128xi32, #tpu.memory_space<vmem>> -> memref<1x128xi32, #tpu.memory_space<vmem>>
      %dma_start3A_24 = tpu.memref_squeeze %dma_start3A_23 : memref<1x128xi32, #tpu.memory_space<vmem>> -> memref<128xi32, #tpu.memory_space<vmem>>
      %dma_start3A_25 = arith.constant 0 : i32
      %dma_start3A_26 = arith.constant 0 : i32
      %dma_start3A_27 = tpu.memref_slice %arg7[%dma_start3A_25, %dma_start3A_26] : memref<10112x32xf32, #tpu.memory_space<vmem_shared>> -> memref<10112x32xf32, #tpu.memory_space<vmem_shared>>
      tpu.enqueue_indirect_dma source(%dma_start3A_27 : memref<10112x32xf32, #tpu.memory_space<vmem_shared>>) target(%dma_start3A_21 : memref<128x32xf32, #tpu.memory_space<vmem>>) offsets(%dma_start3A_24 : memref<128xi32, #tpu.memory_space<vmem>>) semaphore(%arg8 : memref<!tpu.dma_semaphore, #tpu.memory_space<semaphore_mem>>)
    }
    %scan3A_11 = arith.constant 25 : i32
    %scan3A_12 = arith.constant 0 : i32
    %scan3A_13 = arith.constant 0 : i32
    %scan3A_14 = arith.constant 25 : i32
    %scan3A_15 = arith.addi %scan3A_13, %scan3A_14 : i32
    %scan3A_16 = arith.constant 1 : i32
    scf.for %scan3A_18 = %scan3A_13 to %scan3A_15 step %scan3A_16  : i32 {
      %dma_wait3A = arith.constant 0 : i32
      %dma_wait3A_19 = arith.constant 0 : i32
      %dma_wait3A_20 = tpu.memref_slice %arg6[%dma_wait3A, %dma_wait3A_19] : memref<3200x32xf32, #tpu.memory_space<vmem>> -> memref<128x32xf32, #tpu.memory_space<vmem>>
      %dma_wait3A_21 = arith.constant 0 : i32
      %dma_wait3A_22 = arith.constant 0 : i32
      %dma_wait3A_23 = tpu.memref_slice %arg4[%dma_wait3A_21, %dma_wait3A_22] : memref<102400x32xf32, #tpu.memory_space<hbm>> -> memref<128x32xf32, #tpu.memory_space<hbm>>
      %dma_wait3A_24 = arith.constant 0 : i32
      %dma_wait3A_25 = arith.constant 0 : i32
      %dma_wait3A_26 = tpu.memref_slice %arg6[%dma_wait3A_24, %dma_wait3A_25] : memref<3200x32xf32, #tpu.memory_space<vmem>> -> memref<128x32xf32, #tpu.memory_space<vmem>>
      %dma_wait3A_27 = arith.constant 0 : i32
      %dma_wait3A_28 = arith.constant 0 : i32
      %dma_wait3A_29 = tpu.memref_slice %arg4[%dma_wait3A_27, %dma_wait3A_28] : memref<102400x32xf32, #tpu.memory_space<hbm>> -> memref<128x32xf32, #tpu.memory_space<hbm>>
      tpu.wait_dma2 semaphore(%arg8 : memref<!tpu.dma_semaphore, #tpu.memory_space<semaphore_mem>>) src(%dma_wait3A_29 : memref<128x32xf32, #tpu.memory_space<hbm>>) dst(%dma_wait3A_26 : memref<128x32xf32, #tpu.memory_space<vmem>>)
    }
    %scan3A_17 = arith.constant 25 : i32
    "tpu.region"() ({
      %run_scoped3A = tpu.sem_alloc : memref<!tpu.dma_semaphore, #tpu.memory_space<semaphore_mem>>
      %dma_start3A = arith.constant 0 : i32
      %dma_start3A_18 = tpu.memref_slice %arg4[%mul3A_2, %dma_start3A] : memref<102400x32xf32, #tpu.memory_space<hbm>> -> memref<3200x32xf32, #tpu.memory_space<hbm>>
      %dma_start3A_19 = arith.constant 0 : i32
      %dma_start3A_20 = tpu.memref_slice %arg4[%mul3A_2, %dma_start3A_19] : memref<102400x32xf32, #tpu.memory_space<hbm>> -> memref<3200x32xf32, #tpu.memory_space<hbm>>
      tpu.enqueue_dma source(%arg6 : memref<3200x32xf32, #tpu.memory_space<vmem>>) target(%dma_start3A_20 : memref<3200x32xf32, #tpu.memory_space<hbm>>) target_semaphore(%run_scoped3A : memref<!tpu.dma_semaphore, #tpu.memory_space<semaphore_mem>>)
      %dma_wait3A = arith.constant 0 : i32
      %dma_wait3A_21 = tpu.memref_slice %arg4[%mul3A_2, %dma_wait3A] : memref<102400x32xf32, #tpu.memory_space<hbm>> -> memref<3200x32xf32, #tpu.memory_space<hbm>>
      %dma_wait3A_22 = arith.constant 0 : i32
      %dma_wait3A_23 = tpu.memref_slice %arg4[%mul3A_2, %dma_wait3A_22] : memref<102400x32xf32, #tpu.memory_space<hbm>> -> memref<3200x32xf32, #tpu.memory_space<hbm>>
      tpu.wait_dma2 semaphore(%run_scoped3A : memref<!tpu.dma_semaphore, #tpu.memory_space<semaphore_mem>>) src(%arg6 : memref<3200x32xf32, #tpu.memory_space<vmem>>) dst(%dma_wait3A_23 : memref<3200x32xf32, #tpu.memory_space<hbm>>)
      tpu.yield
    }) : () -> ()
    return
  }
}

#map = affine_map<(d0, d1) -> (0, 0)>
#map1 = affine_map<(d0, d1) -> (0, 0, 0)>
module attributes {stable_mosaic.version = 14 : i64} {
  func.func @_sc_gather(%arg0: i32, %arg1: i32, %arg2: memref<10112x32xf32, #tpu.memory_space<hbm>>, %arg3: memref<32x25x128xi32, #tpu.memory_space<hbm>>, %arg4: memref<102400x32xf32, #tpu.memory_space<hbm>>, %arg5: memref<25x128xi32, #tpu.memory_space<vmem>>, %arg6: memref<3200x32xf32, #tpu.memory_space<vmem>>, %arg7: memref<10112x32xf32, #tpu.memory_space<vmem_shared>>, %arg8: memref<!tpu.dma_semaphore, #tpu.memory_space<semaphore_mem>>) attributes {dimension_semantics = [#tpu.dimension_semantics<core_parallel>, #tpu.dimension_semantics<subcore_parallel>], iteration_bounds = array<i64: 2, 16>, scalar_prefetch = 0 : i64, scratch_operands = 4 : i64, tpu.core_type = #tpu.core_type<sc_vector_subcore>, window_params = [{transform_indices = #map}, {transform_indices = #map1}, {transform_indices = #map}]} {
    %mul3A = arith.constant 2 : i32
    %mul3A_0 = arith.muli %arg1, %mul3A : i32
    %add3A = arith.addi %mul3A_0, %arg0 : i32
    %mul3A_1 = arith.constant 3200 : i32
    %mul3A_2 = arith.muli %add3A, %mul3A_1 : i32
    %mul3A_3 = arith.constant 632 : i32
    %mul3A_4 = arith.muli %arg1, %mul3A_3 : i32
    %mul3A_5 = arith.constant 632 : i32
    %mul3A_6 = arith.muli %arg1, %mul3A_5 : i32
    "tpu.region"() ({
      %run_scoped3A = tpu.sem_alloc : memref<!tpu.dma_semaphore, #tpu.memory_space<semaphore_mem>>
      %dma_start3A = arith.constant 0 : i32
      %dma_start3A_18 = tpu.memref_slice %arg7[%mul3A_6, %dma_start3A] : memref<10112x32xf32, #tpu.memory_space<vmem_shared>> -> memref<632x32xf32, #tpu.memory_space<vmem_shared>>
      %dma_start3A_19 = arith.constant 0 : i32
      %dma_start3A_20 = tpu.memref_slice %arg2[%mul3A_4, %dma_start3A_19] : memref<10112x32xf32, #tpu.memory_space<hbm>> -> memref<632x32xf32, #tpu.memory_space<hbm>>
      tpu.enqueue_dma source(%dma_start3A_20 : memref<632x32xf32, #tpu.memory_space<hbm>>) target(%dma_start3A_18 : memref<632x32xf32, #tpu.memory_space<vmem_shared>>) target_semaphore(%run_scoped3A : memref<!tpu.dma_semaphore, #tpu.memory_space<semaphore_mem>>)
      %dma_wait3A = arith.constant 0 : i32
      %dma_wait3A_21 = tpu.memref_slice %arg7[%mul3A_6, %dma_wait3A] : memref<10112x32xf32, #tpu.memory_space<vmem_shared>> -> memref<632x32xf32, #tpu.memory_space<vmem_shared>>
      %dma_wait3A_22 = arith.constant 0 : i32
      %dma_wait3A_23 = tpu.memref_slice %arg2[%mul3A_4, %dma_wait3A_22] : memref<10112x32xf32, #tpu.memory_space<hbm>> -> memref<632x32xf32, #tpu.memory_space<hbm>>
      tpu.wait_dma2 semaphore(%run_scoped3A : memref<!tpu.dma_semaphore, #tpu.memory_space<semaphore_mem>>) src(%dma_wait3A_23 : memref<632x32xf32, #tpu.memory_space<hbm>>) dst(%dma_wait3A_21 : memref<632x32xf32, #tpu.memory_space<vmem_shared>>)
      tpu.yield
    }) : () -> ()
    "tpu.region"() ({
      %run_scoped3A = tpu.sem_alloc : memref<!tpu.dma_semaphore, #tpu.memory_space<semaphore_mem>>
      %dma_start3A = arith.constant 0 : i32
      %dma_start3A_18 = arith.constant 0 : i32
      %dma_start3A_19 = tpu.memref_slice %arg3[%add3A, %dma_start3A, %dma_start3A_18] : memref<32x25x128xi32, #tpu.memory_space<hbm>> -> memref<1x25x128xi32, #tpu.memory_space<hbm>>
      %dma_start3A_20 = tpu.memref_squeeze %dma_start3A_19 : memref<1x25x128xi32, #tpu.memory_space<hbm>> -> memref<25x128xi32, #tpu.memory_space<hbm>>
      %dma_start3A_21 = arith.constant 0 : i32
      %dma_start3A_22 = arith.constant 0 : i32
      %dma_start3A_23 = tpu.memref_slice %arg3[%add3A, %dma_start3A_21, %dma_start3A_22] : memref<32x25x128xi32, #tpu.memory_space<hbm>> -> memref<1x25x128xi32, #tpu.memory_space<hbm>>
      %dma_start3A_24 = tpu.memref_squeeze %dma_start3A_23 : memref<1x25x128xi32, #tpu.memory_space<hbm>> -> memref<25x128xi32, #tpu.memory_space<hbm>>
      tpu.enqueue_dma source(%dma_start3A_24 : memref<25x128xi32, #tpu.memory_space<hbm>>) target(%arg5 : memref<25x128xi32, #tpu.memory_space<vmem>>) target_semaphore(%run_scoped3A : memref<!tpu.dma_semaphore, #tpu.memory_space<semaphore_mem>>)
      %dma_wait3A = arith.constant 0 : i32
      %dma_wait3A_25 = arith.constant 0 : i32
      %dma_wait3A_26 = tpu.memref_slice %arg3[%add3A, %dma_wait3A, %dma_wait3A_25] : memref<32x25x128xi32, #tpu.memory_space<hbm>> -> memref<1x25x128xi32, #tpu.memory_space<hbm>>
      %dma_wait3A_27 = tpu.memref_squeeze %dma_wait3A_26 : memref<1x25x128xi32, #tpu.memory_space<hbm>> -> memref<25x128xi32, #tpu.memory_space<hbm>>
      %dma_wait3A_28 = arith.constant 0 : i32
      %dma_wait3A_29 = arith.constant 0 : i32
      %dma_wait3A_30 = tpu.memref_slice %arg3[%add3A, %dma_wait3A_28, %dma_wait3A_29] : memref<32x25x128xi32, #tpu.memory_space<hbm>> -> memref<1x25x128xi32, #tpu.memory_space<hbm>>
      %dma_wait3A_31 = tpu.memref_squeeze %dma_wait3A_30 : memref<1x25x128xi32, #tpu.memory_space<hbm>> -> memref<25x128xi32, #tpu.memory_space<hbm>>
      tpu.wait_dma2 semaphore(%run_scoped3A : memref<!tpu.dma_semaphore, #tpu.memory_space<semaphore_mem>>) src(%dma_wait3A_31 : memref<25x128xi32, #tpu.memory_space<hbm>>) dst(%arg5 : memref<25x128xi32, #tpu.memory_space<vmem>>)
      tpu.yield
    }) : () -> ()
    %barrier3A = arith.constant 0 : index
    tpu.barrier barrier_id(%barrier3A)
    %scan3A = arith.constant 0 : i32
    %scan3A_7 = arith.constant 0 : i32
    %scan3A_8 = arith.constant 25 : i32
    %scan3A_9 = arith.addi %scan3A_7, %scan3A_8 : i32
    %scan3A_10 = arith.constant 1 : i32
    scf.for %scan3A_18 = %scan3A_7 to %scan3A_9 step %scan3A_10  : i32 {
      %mul3A_19 = arith.constant 128 : i32
      %mul3A_20 = arith.muli %scan3A_18, %mul3A_19 : i32
      %dma_start3A = arith.constant 0 : i32
      %dma_start3A_21 = tpu.memref_slice %arg6[%mul3A_20, %dma_start3A] : memref<3200x32xf32, #tpu.memory_space<vmem>> -> memref<128x32xf32, #tpu.memory_space<vmem>>
      %dma_start3A_22 = arith.constant 0 : i32
      %dma_start3A_23 = tpu.memref_slice %arg5[%scan3A_18, %dma_start3A_22] : memref<25x128xi32, #tpu.memory_space<vmem>> -> memref<1x128xi32, #tpu.memory_space<vmem>>
      %dma_start3A_24 = tpu.memref_squeeze %dma_start3A_23 : memref<1x128xi32, #tpu.memory_space<vmem>> -> memref<128xi32, #tpu.memory_space<vmem>>
      %dma_start3A_25 = arith.constant 0 : i32
      %dma_start3A_26 = arith.constant 0 : i32
      %dma_start3A_27 = tpu.memref_slice %arg7[%dma_start3A_25, %dma_start3A_26] : memref<10112x32xf32, #tpu.memory_space<vmem_shared>> -> memref<10112x32xf32, #tpu.memory_space<vmem_shared>>
      tpu.enqueue_indirect_dma source(%dma_start3A_27 : memref<10112x32xf32, #tpu.memory_space<vmem_shared>>) target(%dma_start3A_21 : memref<128x32xf32, #tpu.memory_space<vmem>>) offsets(%dma_start3A_24 : memref<128xi32, #tpu.memory_space<vmem>>) semaphore(%arg8 : memref<!tpu.dma_semaphore, #tpu.memory_space<semaphore_mem>>)
    }
    %scan3A_11 = arith.constant 25 : i32
    %scan3A_12 = arith.constant 0 : i32
    %scan3A_13 = arith.constant 0 : i32
    %scan3A_14 = arith.constant 25 : i32
    %scan3A_15 = arith.addi %scan3A_13, %scan3A_14 : i32
    %scan3A_16 = arith.constant 1 : i32
    scf.for %scan3A_18 = %scan3A_13 to %scan3A_15 step %scan3A_16  : i32 {
      %dma_wait3A = arith.constant 0 : i32
      %dma_wait3A_19 = arith.constant 0 : i32
      %dma_wait3A_20 = tpu.memref_slice %arg6[%dma_wait3A, %dma_wait3A_19] : memref<3200x32xf32, #tpu.memory_space<vmem>> -> memref<128x32xf32, #tpu.memory_space<vmem>>
      %dma_wait3A_21 = arith.constant 0 : i32
      %dma_wait3A_22 = arith.constant 0 : i32
      %dma_wait3A_23 = tpu.memref_slice %arg4[%dma_wait3A_21, %dma_wait3A_22] : memref<102400x32xf32, #tpu.memory_space<hbm>> -> memref<128x32xf32, #tpu.memory_space<hbm>>
      %dma_wait3A_24 = arith.constant 0 : i32
      %dma_wait3A_25 = arith.constant 0 : i32
      %dma_wait3A_26 = tpu.memref_slice %arg6[%dma_wait3A_24, %dma_wait3A_25] : memref<3200x32xf32, #tpu.memory_space<vmem>> -> memref<128x32xf32, #tpu.memory_space<vmem>>
      %dma_wait3A_27 = arith.constant 0 : i32
      %dma_wait3A_28 = arith.constant 0 : i32
      %dma_wait3A_29 = tpu.memref_slice %arg4[%dma_wait3A_27, %dma_wait3A_28] : memref<102400x32xf32, #tpu.memory_space<hbm>> -> memref<128x32xf32, #tpu.memory_space<hbm>>
      tpu.wait_dma2 semaphore(%arg8 : memref<!tpu.dma_semaphore, #tpu.memory_space<semaphore_mem>>) src(%dma_wait3A_29 : memref<128x32xf32, #tpu.memory_space<hbm>>) dst(%dma_wait3A_26 : memref<128x32xf32, #tpu.memory_space<vmem>>)
    }
    %scan3A_17 = arith.constant 25 : i32
    "tpu.region"() ({
      %run_scoped3A = tpu.sem_alloc : memref<!tpu.dma_semaphore, #tpu.memory_space<semaphore_mem>>
      %dma_start3A = arith.constant 0 : i32
      %dma_start3A_18 = tpu.memref_slice %arg4[%mul3A_2, %dma_start3A] : memref<102400x32xf32, #tpu.memory_space<hbm>> -> memref<3200x32xf32, #tpu.memory_space<hbm>>
      %dma_start3A_19 = arith.constant 0 : i32
      %dma_start3A_20 = tpu.memref_slice %arg4[%mul3A_2, %dma_start3A_19] : memref<102400x32xf32, #tpu.memory_space<hbm>> -> memref<3200x32xf32, #tpu.memory_space<hbm>>
      tpu.enqueue_dma source(%arg6 : memref<3200x32xf32, #tpu.memory_space<vmem>>) target(%dma_start3A_20 : memref<3200x32xf32, #tpu.memory_space<hbm>>) target_semaphore(%run_scoped3A : memref<!tpu.dma_semaphore, #tpu.memory_space<semaphore_mem>>)
      %dma_wait3A = arith.constant 0 : i32
      %dma_wait3A_21 = tpu.memref_slice %arg4[%mul3A_2, %dma_wait3A] : memref<102400x32xf32, #tpu.memory_space<hbm>> -> memref<3200x32xf32, #tpu.memory_space<hbm>>
      %dma_wait3A_22 = arith.constant 0 : i32
      %dma_wait3A_23 = tpu.memref_slice %arg4[%mul3A_2, %dma_wait3A_22] : memref<102400x32xf32, #tpu.memory_space<hbm>> -> memref<3200x32xf32, #tpu.memory_space<hbm>>
      tpu.wait_dma2 semaphore(%run_scoped3A : memref<!tpu.dma_semaphore, #tpu.memory_space<semaphore_mem>>) src(%arg6 : memref<3200x32xf32, #tpu.memory_space<vmem>>) dst(%dma_wait3A_23 : memref<3200x32xf32, #tpu.memory_space<hbm>>)
      tpu.yield
    }) : () -> ()
    return
  }
}

#map = affine_map<(d0, d1) -> (0, 0)>
#map1 = affine_map<(d0, d1) -> (0, 0, 0)>
module attributes {stable_mosaic.version = 14 : i64} {
  func.func @_sc_scatter(%arg0: i32, %arg1: i32, %arg2: memref<102400x32xf32, #tpu.memory_space<hbm>>, %arg3: memref<32x25x128xi32, #tpu.memory_space<hbm>>, %arg4: memref<10112x32xf32, #tpu.memory_space<hbm>>, %arg5: memref<2x10112x32xf32, #tpu.memory_space<hbm>>, %arg6: memref<25x128xi32, #tpu.memory_space<vmem>>, %arg7: memref<3200x32xf32, #tpu.memory_space<vmem>>, %arg8: memref<10112x32xf32, #tpu.memory_space<vmem_shared>>, %arg9: memref<!tpu.dma_semaphore, #tpu.memory_space<semaphore_mem>>) attributes {dimension_semantics = [#tpu.dimension_semantics<core_parallel>, #tpu.dimension_semantics<subcore_parallel>], iteration_bounds = array<i64: 2, 16>, scalar_prefetch = 0 : i64, scratch_operands = 4 : i64, tpu.core_type = #tpu.core_type<sc_vector_subcore>, window_params = [{transform_indices = #map}, {transform_indices = #map1}, {transform_indices = #map}, {transform_indices = #map1}]} {
    %mul3A = arith.constant 16 : i32
    %mul3A_0 = arith.muli %arg0, %mul3A : i32
    %add3A = arith.addi %mul3A_0, %arg1 : i32
    %mul3A_1 = arith.constant 3200 : i32
    %mul3A_2 = arith.muli %add3A, %mul3A_1 : i32
    %mul3A_3 = arith.constant 632 : i32
    %mul3A_4 = arith.muli %arg1, %mul3A_3 : i32
    %mul3A_5 = arith.constant 632 : i32
    %mul3A_6 = arith.muli %arg1, %mul3A_5 : i32
    "tpu.region"() ({
      %run_scoped3A = tpu.sem_alloc : memref<!tpu.dma_semaphore, #tpu.memory_space<semaphore_mem>>
      %dma_start3A = arith.constant 0 : i32
      %dma_start3A_17 = tpu.memref_slice %arg8[%mul3A_6, %dma_start3A] : memref<10112x32xf32, #tpu.memory_space<vmem_shared>> -> memref<632x32xf32, #tpu.memory_space<vmem_shared>>
      %dma_start3A_18 = arith.constant 0 : i32
      %dma_start3A_19 = tpu.memref_slice %arg4[%mul3A_4, %dma_start3A_18] : memref<10112x32xf32, #tpu.memory_space<hbm>> -> memref<632x32xf32, #tpu.memory_space<hbm>>
      tpu.enqueue_dma source(%dma_start3A_19 : memref<632x32xf32, #tpu.memory_space<hbm>>) target(%dma_start3A_17 : memref<632x32xf32, #tpu.memory_space<vmem_shared>>) target_semaphore(%run_scoped3A : memref<!tpu.dma_semaphore, #tpu.memory_space<semaphore_mem>>)
      %dma_wait3A = arith.constant 0 : i32
      %dma_wait3A_20 = tpu.memref_slice %arg8[%mul3A_6, %dma_wait3A] : memref<10112x32xf32, #tpu.memory_space<vmem_shared>> -> memref<632x32xf32, #tpu.memory_space<vmem_shared>>
      %dma_wait3A_21 = arith.constant 0 : i32
      %dma_wait3A_22 = tpu.memref_slice %arg4[%mul3A_4, %dma_wait3A_21] : memref<10112x32xf32, #tpu.memory_space<hbm>> -> memref<632x32xf32, #tpu.memory_space<hbm>>
      tpu.wait_dma2 semaphore(%run_scoped3A : memref<!tpu.dma_semaphore, #tpu.memory_space<semaphore_mem>>) src(%dma_wait3A_22 : memref<632x32xf32, #tpu.memory_space<hbm>>) dst(%dma_wait3A_20 : memref<632x32xf32, #tpu.memory_space<vmem_shared>>)
      tpu.yield
    }) : () -> ()
    %barrier3A = arith.constant 0 : index
    tpu.barrier barrier_id(%barrier3A)
    "tpu.region"() ({
      %run_scoped3A = tpu.sem_alloc : memref<!tpu.dma_semaphore, #tpu.memory_space<semaphore_mem>>
      %dma_start3A = arith.constant 0 : i32
      %dma_start3A_17 = arith.constant 0 : i32
      %dma_start3A_18 = tpu.memref_slice %arg3[%add3A, %dma_start3A, %dma_start3A_17] : memref<32x25x128xi32, #tpu.memory_space<hbm>> -> memref<1x25x128xi32, #tpu.memory_space<hbm>>
      %dma_start3A_19 = tpu.memref_squeeze %dma_start3A_18 : memref<1x25x128xi32, #tpu.memory_space<hbm>> -> memref<25x128xi32, #tpu.memory_space<hbm>>
      %dma_start3A_20 = arith.constant 0 : i32
      %dma_start3A_21 = arith.constant 0 : i32
      %dma_start3A_22 = tpu.memref_slice %arg3[%add3A, %dma_start3A_20, %dma_start3A_21] : memref<32x25x128xi32, #tpu.memory_space<hbm>> -> memref<1x25x128xi32, #tpu.memory_space<hbm>>
      %dma_start3A_23 = tpu.memref_squeeze %dma_start3A_22 : memref<1x25x128xi32, #tpu.memory_space<hbm>> -> memref<25x128xi32, #tpu.memory_space<hbm>>
      tpu.enqueue_dma source(%dma_start3A_23 : memref<25x128xi32, #tpu.memory_space<hbm>>) target(%arg6 : memref<25x128xi32, #tpu.memory_space<vmem>>) target_semaphore(%run_scoped3A : memref<!tpu.dma_semaphore, #tpu.memory_space<semaphore_mem>>)
      %dma_wait3A = arith.constant 0 : i32
      %dma_wait3A_24 = arith.constant 0 : i32
      %dma_wait3A_25 = tpu.memref_slice %arg3[%add3A, %dma_wait3A, %dma_wait3A_24] : memref<32x25x128xi32, #tpu.memory_space<hbm>> -> memref<1x25x128xi32, #tpu.memory_space<hbm>>
      %dma_wait3A_26 = tpu.memref_squeeze %dma_wait3A_25 : memref<1x25x128xi32, #tpu.memory_space<hbm>> -> memref<25x128xi32, #tpu.memory_space<hbm>>
      %dma_wait3A_27 = arith.constant 0 : i32
      %dma_wait3A_28 = arith.constant 0 : i32
      %dma_wait3A_29 = tpu.memref_slice %arg3[%add3A, %dma_wait3A_27, %dma_wait3A_28] : memref<32x25x128xi32, #tpu.memory_space<hbm>> -> memref<1x25x128xi32, #tpu.memory_space<hbm>>
      %dma_wait3A_30 = tpu.memref_squeeze %dma_wait3A_29 : memref<1x25x128xi32, #tpu.memory_space<hbm>> -> memref<25x128xi32, #tpu.memory_space<hbm>>
      tpu.wait_dma2 semaphore(%run_scoped3A : memref<!tpu.dma_semaphore, #tpu.memory_space<semaphore_mem>>) src(%dma_wait3A_30 : memref<25x128xi32, #tpu.memory_space<hbm>>) dst(%arg6 : memref<25x128xi32, #tpu.memory_space<vmem>>)
      tpu.yield
    }) : () -> ()
    "tpu.region"() ({
      %run_scoped3A = tpu.sem_alloc : memref<!tpu.dma_semaphore, #tpu.memory_space<semaphore_mem>>
      %dma_start3A = arith.constant 0 : i32
      %dma_start3A_17 = tpu.memref_slice %arg2[%mul3A_2, %dma_start3A] : memref<102400x32xf32, #tpu.memory_space<hbm>> -> memref<3200x32xf32, #tpu.memory_space<hbm>>
      %dma_start3A_18 = arith.constant 0 : i32
      %dma_start3A_19 = tpu.memref_slice %arg2[%mul3A_2, %dma_start3A_18] : memref<102400x32xf32, #tpu.memory_space<hbm>> -> memref<3200x32xf32, #tpu.memory_space<hbm>>
      tpu.enqueue_dma source(%dma_start3A_19 : memref<3200x32xf32, #tpu.memory_space<hbm>>) target(%arg7 : memref<3200x32xf32, #tpu.memory_space<vmem>>) target_semaphore(%run_scoped3A : memref<!tpu.dma_semaphore, #tpu.memory_space<semaphore_mem>>)
      %dma_wait3A = arith.constant 0 : i32
      %dma_wait3A_20 = tpu.memref_slice %arg2[%mul3A_2, %dma_wait3A] : memref<102400x32xf32, #tpu.memory_space<hbm>> -> memref<3200x32xf32, #tpu.memory_space<hbm>>
      %dma_wait3A_21 = arith.constant 0 : i32
      %dma_wait3A_22 = tpu.memref_slice %arg2[%mul3A_2, %dma_wait3A_21] : memref<102400x32xf32, #tpu.memory_space<hbm>> -> memref<3200x32xf32, #tpu.memory_space<hbm>>
      tpu.wait_dma2 semaphore(%run_scoped3A : memref<!tpu.dma_semaphore, #tpu.memory_space<semaphore_mem>>) src(%dma_wait3A_22 : memref<3200x32xf32, #tpu.memory_space<hbm>>) dst(%arg7 : memref<3200x32xf32, #tpu.memory_space<vmem>>)
      tpu.yield
    }) : () -> ()
    %scan3A = arith.constant 0 : i32
    %scan3A_7 = arith.constant 0 : i32
    %scan3A_8 = arith.constant 25 : i32
    %scan3A_9 = arith.addi %scan3A_7, %scan3A_8 : i32
    %scan3A_10 = arith.constant 1 : i32
    scf.for %scan3A_17 = %scan3A_7 to %scan3A_9 step %scan3A_10  : i32 {
      %mul3A_18 = arith.constant 128 : i32
      %mul3A_19 = arith.muli %scan3A_17, %mul3A_18 : i32
      "tpu.region"() ({
        %run_scoped3A = tpu.sem_alloc : memref<!tpu.dma_semaphore, #tpu.memory_space<semaphore_mem>>
        %dma_start3A = arith.constant 0 : i32
        %dma_start3A_20 = tpu.memref_slice %arg7[%mul3A_19, %dma_start3A] : memref<3200x32xf32, #tpu.memory_space<vmem>> -> memref<128x32xf32, #tpu.memory_space<vmem>>
        %dma_start3A_21 = arith.constant 0 : i32
        %dma_start3A_22 = tpu.memref_slice %arg6[%scan3A_17, %dma_start3A_21] : memref<25x128xi32, #tpu.memory_space<vmem>> -> memref<1x128xi32, #tpu.memory_space<vmem>>
        %dma_start3A_23 = tpu.memref_squeeze %dma_start3A_22 : memref<1x128xi32, #tpu.memory_space<vmem>> -> memref<128xi32, #tpu.memory_space<vmem>>
        %dma_start3A_24 = arith.constant 0 : i32
        %dma_start3A_25 = arith.constant 0 : i32
        %dma_start3A_26 = tpu.memref_slice %arg8[%dma_start3A_24, %dma_start3A_25] : memref<10112x32xf32, #tpu.memory_space<vmem_shared>> -> memref<10112x32xf32, #tpu.memory_space<vmem_shared>>
        tpu.enqueue_indirect_dma source(%dma_start3A_20 : memref<128x32xf32, #tpu.memory_space<vmem>>) target(%dma_start3A_26 : memref<10112x32xf32, #tpu.memory_space<vmem_shared>>) offsets(%dma_start3A_23 : memref<128xi32, #tpu.memory_space<vmem>>) semaphore(%run_scoped3A : memref<!tpu.dma_semaphore, #tpu.memory_space<semaphore_mem>>) {add = true}
        %dma_wait3A = arith.constant 0 : i32
        %dma_wait3A_27 = tpu.memref_slice %arg7[%mul3A_19, %dma_wait3A] : memref<3200x32xf32, #tpu.memory_space<vmem>> -> memref<128x32xf32, #tpu.memory_space<vmem>>
        %dma_wait3A_28 = arith.constant 0 : i32
        %dma_wait3A_29 = tpu.memref_slice %arg6[%scan3A_17, %dma_wait3A_28] : memref<25x128xi32, #tpu.memory_space<vmem>> -> memref<1x128xi32, #tpu.memory_space<vmem>>
        %dma_wait3A_30 = tpu.memref_squeeze %dma_wait3A_29 : memref<1x128xi32, #tpu.memory_space<vmem>> -> memref<128xi32, #tpu.memory_space<vmem>>
        %dma_wait3A_31 = arith.constant 0 : i32
        %dma_wait3A_32 = arith.constant 0 : i32
        %dma_wait3A_33 = tpu.memref_slice %arg8[%dma_wait3A_31, %dma_wait3A_32] : memref<10112x32xf32, #tpu.memory_space<vmem_shared>> -> memref<10112x32xf32, #tpu.memory_space<vmem_shared>>
        tpu.wait_indirect_dma semaphore(%run_scoped3A : memref<!tpu.dma_semaphore, #tpu.memory_space<semaphore_mem>>) src(%dma_wait3A_27 : memref<128x32xf32, #tpu.memory_space<vmem>>) dst(%dma_wait3A_33 : memref<10112x32xf32, #tpu.memory_space<vmem_shared>>)
        tpu.yield
      }) : () -> ()
    }
    %scan3A_11 = arith.constant 25 : i32
    %barrier3A_12 = arith.constant 0 : index
    tpu.barrier barrier_id(%barrier3A_12)
    %mul3A_13 = arith.constant 632 : i32
    %mul3A_14 = arith.muli %arg1, %mul3A_13 : i32
    %mul3A_15 = arith.constant 632 : i32
    %mul3A_16 = arith.muli %arg1, %mul3A_15 : i32
    "tpu.region"() ({
      %run_scoped3A = tpu.sem_alloc : memref<!tpu.dma_semaphore, #tpu.memory_space<semaphore_mem>>
      %dma_start3A = arith.constant 0 : i32
      %dma_start3A_17 = tpu.memref_slice %arg5[%arg0, %mul3A_16, %dma_start3A] : memref<2x10112x32xf32, #tpu.memory_space<hbm>> -> memref<1x632x32xf32, #tpu.memory_space<hbm>>
      %dma_start3A_18 = tpu.memref_squeeze %dma_start3A_17 : memref<1x632x32xf32, #tpu.memory_space<hbm>> -> memref<632x32xf32, #tpu.memory_space<hbm>>
      %dma_start3A_19 = arith.constant 0 : i32
      %dma_start3A_20 = tpu.memref_slice %arg8[%mul3A_14, %dma_start3A_19] : memref<10112x32xf32, #tpu.memory_space<vmem_shared>> -> memref<632x32xf32, #tpu.memory_space<vmem_shared>>
      tpu.enqueue_dma source(%dma_start3A_20 : memref<632x32xf32, #tpu.memory_space<vmem_shared>>) target(%dma_start3A_18 : memref<632x32xf32, #tpu.memory_space<hbm>>) target_semaphore(%run_scoped3A : memref<!tpu.dma_semaphore, #tpu.memory_space<semaphore_mem>>)
      %dma_wait3A = arith.constant 0 : i32
      %dma_wait3A_21 = tpu.memref_slice %arg5[%arg0, %mul3A_16, %dma_wait3A] : memref<2x10112x32xf32, #tpu.memory_space<hbm>> -> memref<1x632x32xf32, #tpu.memory_space<hbm>>
      %dma_wait3A_22 = tpu.memref_squeeze %dma_wait3A_21 : memref<1x632x32xf32, #tpu.memory_space<hbm>> -> memref<632x32xf32, #tpu.memory_space<hbm>>
      %dma_wait3A_23 = arith.constant 0 : i32
      %dma_wait3A_24 = tpu.memref_slice %arg8[%mul3A_14, %dma_wait3A_23] : memref<10112x32xf32, #tpu.memory_space<vmem_shared>> -> memref<632x32xf32, #tpu.memory_space<vmem_shared>>
      tpu.wait_dma2 semaphore(%run_scoped3A : memref<!tpu.dma_semaphore, #tpu.memory_space<semaphore_mem>>) src(%dma_wait3A_24 : memref<632x32xf32, #tpu.memory_space<vmem_shared>>) dst(%dma_wait3A_22 : memref<632x32xf32, #tpu.memory_space<hbm>>)
      tpu.yield
    }) : () -> ()
    return
  }
}

module attributes {stable_mosaic.version = 14 : i64} {
  func.func @_prologue_body(%arg0: memref<10112x32xf32, #tpu.memory_space<vmem>>, %arg1: memref<32x32xf32, #tpu.memory_space<vmem>>, %arg2: memref<1x32xf32, #tpu.memory_space<vmem>>, %arg3: memref<10112x32xf32, #tpu.memory_space<vmem>>) attributes {dimension_semantics = [], scalar_prefetch = 0 : i64, scratch_operands = 0 : i64, tpu.core_type = #tpu.core_type<tc>} {
    %get3A = arith.constant 0 : index
    %get3A_0 = arith.constant 0 : index
    %get3A_1 = vector.load %arg0[%get3A, %get3A_0] : memref<10112x32xf32, #tpu.memory_space<vmem>>, vector<10112x32xf32>
    %get3A_2 = arith.constant 0 : index
    %get3A_3 = arith.constant 0 : index
    %get3A_4 = vector.load %arg1[%get3A_2, %get3A_3] : memref<32x32xf32, #tpu.memory_space<vmem>>, vector<32x32xf32>
    %dot_general3A = arith.constant dense<0.000000e+00> : vector<10112x32xf32>
    %dot_general3A_5 = tpu.matmul %get3A_1, %get3A_4, %dot_general3A {dimension_numbers = #tpu.dot_dimension_numbers<[1], [0], [0], [1], [0, 0, 1, 1], [], []>, transpose_lhs_hint = false} : vector<10112x32xf32>, vector<32x32xf32>, vector<10112x32xf32> -> vector<10112x32xf32>
    %get3A_6 = arith.constant 0 : index
    %get3A_7 = arith.constant 0 : index
    %get3A_8 = vector.load %arg2[%get3A_6, %get3A_7] : memref<1x32xf32, #tpu.memory_space<vmem>>, vector<1x32xf32>
    %add3A = vector.broadcast %get3A_8 : vector<1x32xf32> to vector<10112x32xf32>
    %add3A_9 = arith.addf %dot_general3A_5, %add3A : vector<10112x32xf32>
    %max3A = arith.constant 0.000000e+00 : f32
    %max3A_10 = vector.broadcast %max3A : f32 to vector<10112x32xf32>
    %max3A_11 = arith.maximumf %add3A_9, %max3A_10 : vector<10112x32xf32>
    %swap3A = arith.constant 0 : index
    %swap3A_12 = arith.constant 0 : index
    %swap3A_13 = vector.load %arg3[%swap3A, %swap3A_12] : memref<10112x32xf32, #tpu.memory_space<vmem>>, vector<10112x32xf32>
    tpu.vector_store %arg3[%swap3A, %swap3A_12], %max3A_11 {strides = array<i32>} : memref<10112x32xf32, #tpu.memory_space<vmem>>, vector<10112x32xf32>,
    return
  }
}

module attributes {stable_mosaic.version = 14 : i64} {
  func.func @_msg_body(%arg0: i32, %arg1: memref<4096x16xf32, #tpu.memory_space<vmem>>, %arg2: memref<1024x128xf32, #tpu.memory_space<vmem>>, %arg3: memref<16x128xf32, #tpu.memory_space<vmem>>, %arg4: memref<1x128xf32, #tpu.memory_space<vmem>>, %arg5: memref<160x2048xf32, #tpu.memory_space<vmem>>, %arg6: memref<1x1024xf32, #tpu.memory_space<vmem>>, %arg7: memref<1024x128xf32, #tpu.memory_space<vmem>>) attributes {dimension_semantics = [#tpu.dimension_semantics<arbitrary>], iteration_bounds = array<i64: 25>, scalar_prefetch = 0 : i64, scratch_operands = 0 : i64, tpu.core_type = #tpu.core_type<tc>, window_params = [{transform_indices = @transform_0, window_bounds = array<i64: 4096, 16>}, {transform_indices = @transform_1, window_bounds = array<i64: 1024, 128>}, {pipeline_mode = #tpu.pipeline_mode<synchronous>, transform_indices = @transform_2, window_bounds = array<i64: 16, 128>}, {pipeline_mode = #tpu.pipeline_mode<synchronous>, transform_indices = @transform_3, window_bounds = array<i64: 1, 128>}, {pipeline_mode = #tpu.pipeline_mode<synchronous>, transform_indices = @transform_4, window_bounds = array<i64: 160, 2048>}, {pipeline_mode = #tpu.pipeline_mode<synchronous>, transform_indices = @transform_5, window_bounds = array<i64: 1, 1024>}, {transform_indices = @transform_6, window_bounds = array<i64: 1024, 128>}]} {
    %get3A = arith.constant 0 : index
    %get3A_0 = arith.constant 0 : index
    %get3A_1 = vector.load %arg1[%get3A, %get3A_0] : memref<4096x16xf32, #tpu.memory_space<vmem>>, vector<4096x16xf32>
    %get3A_2 = arith.constant 0 : index
    %get3A_3 = arith.constant 0 : index
    %get3A_4 = vector.load %arg3[%get3A_2, %get3A_3] : memref<16x128xf32, #tpu.memory_space<vmem>>, vector<16x128xf32>
    %dot_general3A = arith.constant dense<0.000000e+00> : vector<4096x128xf32>
    %dot_general3A_5 = tpu.matmul %get3A_1, %get3A_4, %dot_general3A {dimension_numbers = #tpu.dot_dimension_numbers<[1], [0], [0], [1], [0, 0, 1, 1], [], []>, transpose_lhs_hint = false} : vector<4096x16xf32>, vector<16x128xf32>, vector<4096x128xf32> -> vector<4096x128xf32>
    %get3A_6 = arith.constant 0 : index
    %get3A_7 = arith.constant 0 : index
    %get3A_8 = vector.load %arg4[%get3A_6, %get3A_7] : memref<1x128xf32, #tpu.memory_space<vmem>>, vector<1x128xf32>
    %add3A = vector.broadcast %get3A_8 : vector<1x128xf32> to vector<4096x128xf32>
    %add3A_9 = arith.addf %dot_general3A_5, %add3A : vector<4096x128xf32>
    %max3A = arith.constant 0.000000e+00 : f32
    %max3A_10 = vector.broadcast %max3A : f32 to vector<4096x128xf32>
    %max3A_11 = arith.maximumf %add3A_9, %max3A_10 : vector<4096x128xf32>
    %get3A_12 = arith.constant 0 : index
    %get3A_13 = arith.constant 0 : index
    %get3A_14 = vector.load %arg2[%get3A_12, %get3A_13] : memref<1024x128xf32, #tpu.memory_space<vmem>>, vector<1024x128xf32>
    %slice3A = vector.extract_strided_slice %get3A_14 {offsets = [0, 0], sizes = [1024, 32], strides = [1, 1]} : vector<1024x128xf32> to vector<1024x32xf32>
    %slice3A_15 = vector.extract_strided_slice %get3A_14 {offsets = [0, 32], sizes = [1024, 32], strides = [1, 1]} : vector<1024x128xf32> to vector<1024x32xf32>
    %slice3A_16 = vector.extract_strided_slice %get3A_14 {offsets = [0, 64], sizes = [1024, 32], strides = [1, 1]} : vector<1024x128xf32> to vector<1024x32xf32>
    %slice3A_17 = vector.extract_strided_slice %get3A_14 {offsets = [0, 96], sizes = [1024, 32], strides = [1, 1]} : vector<1024x128xf32> to vector<1024x32xf32>
    %concatenate3A = tpu.concatenate %slice3A, %slice3A_15, %slice3A_16, %slice3A_17 in 0 : vector<1024x32xf32>, vector<1024x32xf32>, vector<1024x32xf32>, vector<1024x32xf32> -> vector<4096x32xf32>
    %concatenate3A_18 = tpu.concatenate %max3A_11, %concatenate3A in 1 : vector<4096x128xf32>, vector<4096x32xf32> -> vector<4096x160xf32>
    %get3A_19 = arith.constant 0 : index
    %get3A_20 = arith.constant 0 : index
    %get3A_21 = vector.load %arg5[%get3A_19, %get3A_20] : memref<160x2048xf32, #tpu.memory_space<vmem>>, vector<160x2048xf32>
    %dot_general3A_22 = arith.constant dense<0.000000e+00> : vector<4096x2048xf32>
    %dot_general3A_23 = tpu.matmul %concatenate3A_18, %get3A_21, %dot_general3A_22 {dimension_numbers = #tpu.dot_dimension_numbers<[1], [0], [0], [1], [0, 0, 1, 1], [], []>, transpose_lhs_hint = false} : vector<4096x160xf32>, vector<160x2048xf32>, vector<4096x2048xf32> -> vector<4096x2048xf32>
    %slice3A_24 = vector.extract_strided_slice %dot_general3A_23 {offsets = [0, 0], sizes = [4096, 1024], strides = [1, 1]} : vector<4096x2048xf32> to vector<4096x1024xf32>
    %get3A_25 = arith.constant 0 : index
    %get3A_26 = arith.constant 0 : index
    %get3A_27 = vector.load %arg6[%get3A_25, %get3A_26] : memref<1x1024xf32, #tpu.memory_space<vmem>>, vector<1x1024xf32>
    %add3A_28 = vector.broadcast %get3A_27 : vector<1x1024xf32> to vector<4096x1024xf32>
    %add3A_29 = arith.addf %slice3A_24, %add3A_28 : vector<4096x1024xf32>
    %slice3A_30 = vector.extract_strided_slice %dot_general3A_23 {offsets = [0, 1024], sizes = [4096, 1024], strides = [1, 1]} : vector<4096x2048xf32> to vector<4096x1024xf32>
    %slice3A_31 = vector.extract_strided_slice %slice3A_30 {offsets = [0, 0], sizes = [4096, 512], strides = [1, 1]} : vector<4096x1024xf32> to vector<4096x512xf32>
    %slice3A_32 = vector.extract_strided_slice %add3A_29 {offsets = [0, 0], sizes = [4096, 512], strides = [1, 1]} : vector<4096x1024xf32> to vector<4096x512xf32>
    %mul3A = arith.mulf %slice3A_31, %slice3A_32 : vector<4096x512xf32>
    %slice3A_33 = vector.extract_strided_slice %slice3A_30 {offsets = [0, 512], sizes = [4096, 512], strides = [1, 1]} : vector<4096x1024xf32> to vector<4096x512xf32>
    %slice3A_34 = vector.extract_strided_slice %add3A_29 {offsets = [0, 512], sizes = [4096, 512], strides = [1, 1]} : vector<4096x1024xf32> to vector<4096x512xf32>
    %mul3A_35 = arith.mulf %slice3A_33, %slice3A_34 : vector<4096x512xf32>
    %add3A_36 = arith.addf %mul3A, %mul3A_35 : vector<4096x512xf32>
    %slice3A_37 = vector.extract_strided_slice %add3A_36 {offsets = [0, 0], sizes = [4096, 256], strides = [1, 1]} : vector<4096x512xf32> to vector<4096x256xf32>
    %slice3A_38 = vector.extract_strided_slice %add3A_36 {offsets = [0, 256], sizes = [4096, 256], strides = [1, 1]} : vector<4096x512xf32> to vector<4096x256xf32>
    %add3A_39 = arith.addf %slice3A_37, %slice3A_38 : vector<4096x256xf32>
    %slice3A_40 = vector.extract_strided_slice %add3A_39 {offsets = [0, 0], sizes = [4096, 128], strides = [1, 1]} : vector<4096x256xf32> to vector<4096x128xf32>
    %slice3A_41 = vector.extract_strided_slice %add3A_39 {offsets = [0, 128], sizes = [4096, 128], strides = [1, 1]} : vector<4096x256xf32> to vector<4096x128xf32>
    %add3A_42 = arith.addf %slice3A_40, %slice3A_41 : vector<4096x128xf32>
    %slice3A_43 = vector.extract_strided_slice %add3A_42 {offsets = [0, 0], sizes = [4096, 64], strides = [1, 1]} : vector<4096x128xf32> to vector<4096x64xf32>
    %slice3A_44 = vector.extract_strided_slice %add3A_42 {offsets = [0, 64], sizes = [4096, 64], strides = [1, 1]} : vector<4096x128xf32> to vector<4096x64xf32>
    %add3A_45 = arith.addf %slice3A_43, %slice3A_44 : vector<4096x64xf32>
    %slice3A_46 = vector.extract_strided_slice %add3A_45 {offsets = [0, 0], sizes = [4096, 32], strides = [1, 1]} : vector<4096x64xf32> to vector<4096x32xf32>
    %slice3A_47 = vector.extract_strided_slice %add3A_45 {offsets = [0, 32], sizes = [4096, 32], strides = [1, 1]} : vector<4096x64xf32> to vector<4096x32xf32>
    %add3A_48 = arith.addf %slice3A_46, %slice3A_47 : vector<4096x32xf32>
    %slice3A_49 = vector.extract_strided_slice %add3A_48 {offsets = [0, 0], sizes = [1024, 32], strides = [1, 1]} : vector<4096x32xf32> to vector<1024x32xf32>
    %slice3A_50 = vector.extract_strided_slice %add3A_48 {offsets = [1024, 0], sizes = [1024, 32], strides = [1, 1]} : vector<4096x32xf32> to vector<1024x32xf32>
    %slice3A_51 = vector.extract_strided_slice %add3A_48 {offsets = [2048, 0], sizes = [1024, 32], strides = [1, 1]} : vector<4096x32xf32> to vector<1024x32xf32>
    %slice3A_52 = vector.extract_strided_slice %add3A_48 {offsets = [3072, 0], sizes = [1024, 32], strides = [1, 1]} : vector<4096x32xf32> to vector<1024x32xf32>
    %concatenate3A_53 = tpu.concatenate %slice3A_49, %slice3A_50, %slice3A_51, %slice3A_52 in 1 : vector<1024x32xf32>, vector<1024x32xf32>, vector<1024x32xf32>, vector<1024x32xf32> -> vector<1024x128xf32>
    %swap3A = arith.constant 0 : index
    %swap3A_54 = arith.constant 0 : index
    %swap3A_55 = vector.load %arg7[%swap3A, %swap3A_54] : memref<1024x128xf32, #tpu.memory_space<vmem>>, vector<1024x128xf32>
    tpu.vector_store %arg7[%swap3A, %swap3A_54], %concatenate3A_53 {strides = array<i32>} : memref<1024x128xf32, #tpu.memory_space<vmem>>, vector<1024x128xf32>,
    return
  }
  func.func @transform_0(%arg0: i32) -> (i32, i32) {
    %c0_i32 = arith.constant 0 : i32
    %c0_i32_0 = arith.constant 0 : i32
    return %arg0, %c0_i32 : i32, i32
  }
  func.func @transform_1(%arg0: i32) -> (i32, i32) {
    %c0_i32 = arith.constant 0 : i32
    %c0_i32_0 = arith.constant 0 : i32
    return %arg0, %c0_i32 : i32, i32
  }
  func.func @transform_2(%arg0: i32) -> (i32, i32) {
    %c0_i32 = arith.constant 0 : i32
    %c0_i32_0 = arith.constant 0 : i32
    %c0_i32_1 = arith.constant 0 : i32
    return %c0_i32, %c0_i32_0 : i32, i32
  }
  func.func @transform_3(%arg0: i32) -> (i32, i32) {
    %c0_i32 = arith.constant 0 : i32
    %c0_i32_0 = arith.constant 0 : i32
    %c0_i32_1 = arith.constant 0 : i32
    return %c0_i32, %c0_i32_0 : i32, i32
  }
  func.func @transform_4(%arg0: i32) -> (i32, i32) {
    %c0_i32 = arith.constant 0 : i32
    %c0_i32_0 = arith.constant 0 : i32
    %c0_i32_1 = arith.constant 0 : i32
    return %c0_i32, %c0_i32_0 : i32, i32
  }
  func.func @transform_5(%arg0: i32) -> (i32, i32) {
    %c0_i32 = arith.constant 0 : i32
    %c0_i32_0 = arith.constant 0 : i32
    %c0_i32_1 = arith.constant 0 : i32
    return %c0_i32, %c0_i32_0 : i32, i32
  }
  func.func @transform_6(%arg0: i32) -> (i32, i32) {
    %c0_i32 = arith.constant 0 : i32
    %c0_i32_0 = arith.constant 0 : i32
    return %arg0, %c0_i32 : i32, i32
  }
}

module attributes {stable_mosaic.version = 14 : i64} {
  func.func @_update_body(%arg0: memref<2x10112x32xf32, #tpu.memory_space<vmem>>, %arg1: memref<10112x32xf32, #tpu.memory_space<vmem>>, %arg2: memref<1x32xf32, #tpu.memory_space<vmem>>, %arg3: memref<32x32xf32, #tpu.memory_space<vmem>>, %arg4: memref<32x32xf32, #tpu.memory_space<vmem>>, %arg5: memref<1x32xf32, #tpu.memory_space<vmem>>, %arg6: memref<10112x32xf32, #tpu.memory_space<vmem>>) attributes {dimension_semantics = [], scalar_prefetch = 0 : i64, scratch_operands = 0 : i64, tpu.core_type = #tpu.core_type<tc>} {
    %get3A = arith.constant 0 : index
    %get3A_0 = arith.constant 0 : index
    %get3A_1 = vector.load %arg1[%get3A, %get3A_0] : memref<10112x32xf32, #tpu.memory_space<vmem>>, vector<10112x32xf32>
    %get3A_2 = arith.constant 0 : index
    %get3A_3 = arith.constant 0 : index
    %get3A_4 = arith.constant 0 : index
    %get3A_5 = vector.load %arg0[%get3A_2, %get3A_3, %get3A_4] : memref<2x10112x32xf32, #tpu.memory_space<vmem>>, vector<1x10112x32xf32>
    %get3A_6 = vector.shape_cast %get3A_5 : vector<1x10112x32xf32> to vector<10112x32xf32>
    %get3A_7 = arith.constant 1 : index
    %get3A_8 = arith.constant 0 : index
    %get3A_9 = arith.constant 0 : index
    %get3A_10 = vector.load %arg0[%get3A_7, %get3A_8, %get3A_9] : memref<2x10112x32xf32, #tpu.memory_space<vmem>>, vector<1x10112x32xf32>
    %get3A_11 = vector.shape_cast %get3A_10 : vector<1x10112x32xf32> to vector<10112x32xf32>
    %add3A = arith.addf %get3A_6, %get3A_11 : vector<10112x32xf32>
    %add3A_12 = arith.addf %add3A, %get3A_1 : vector<10112x32xf32>
    %get3A_13 = arith.constant 0 : index
    %get3A_14 = arith.constant 0 : index
    %get3A_15 = vector.load %arg2[%get3A_13, %get3A_14] : memref<1x32xf32, #tpu.memory_space<vmem>>, vector<1x32xf32>
    %add3A_16 = vector.broadcast %get3A_15 : vector<1x32xf32> to vector<10112x32xf32>
    %add3A_17 = arith.addf %add3A_12, %add3A_16 : vector<10112x32xf32>
    %max3A = arith.constant 0.000000e+00 : f32
    %max3A_18 = vector.broadcast %max3A : f32 to vector<10112x32xf32>
    %max3A_19 = arith.maximumf %add3A_17, %max3A_18 : vector<10112x32xf32>
    %get3A_20 = arith.constant 0 : index
    %get3A_21 = arith.constant 0 : index
    %get3A_22 = vector.load %arg3[%get3A_20, %get3A_21] : memref<32x32xf32, #tpu.memory_space<vmem>>, vector<32x32xf32>
    %dot_general3A = arith.constant dense<0.000000e+00> : vector<10112x32xf32>
    %dot_general3A_23 = tpu.matmul %max3A_19, %get3A_22, %dot_general3A {dimension_numbers = #tpu.dot_dimension_numbers<[1], [0], [0], [1], [0, 0, 1, 1], [], []>, transpose_lhs_hint = false} : vector<10112x32xf32>, vector<32x32xf32>, vector<10112x32xf32> -> vector<10112x32xf32>
    %get3A_24 = arith.constant 0 : index
    %get3A_25 = arith.constant 0 : index
    %get3A_26 = vector.load %arg4[%get3A_24, %get3A_25] : memref<32x32xf32, #tpu.memory_space<vmem>>, vector<32x32xf32>
    %dot_general3A_27 = arith.constant dense<0.000000e+00> : vector<10112x32xf32>
    %dot_general3A_28 = tpu.matmul %get3A_1, %get3A_26, %dot_general3A_27 {dimension_numbers = #tpu.dot_dimension_numbers<[1], [0], [0], [1], [0, 0, 1, 1], [], []>, transpose_lhs_hint = false} : vector<10112x32xf32>, vector<32x32xf32>, vector<10112x32xf32> -> vector<10112x32xf32>
    %add3A_29 = arith.addf %dot_general3A_23, %dot_general3A_28 : vector<10112x32xf32>
    %get3A_30 = arith.constant 0 : index
    %get3A_31 = arith.constant 0 : index
    %get3A_32 = vector.load %arg5[%get3A_30, %get3A_31] : memref<1x32xf32, #tpu.memory_space<vmem>>, vector<1x32xf32>
    %add3A_33 = vector.broadcast %get3A_32 : vector<1x32xf32> to vector<10112x32xf32>
    %add3A_34 = arith.addf %add3A_29, %add3A_33 : vector<10112x32xf32>
    %swap3A = arith.constant 0 : index
    %swap3A_35 = arith.constant 0 : index
    %swap3A_36 = vector.load %arg6[%swap3A, %swap3A_35] : memref<10112x32xf32, #tpu.memory_space<vmem>>, vector<10112x32xf32>
    tpu.vector_store %arg6[%swap3A, %swap3A_35], %add3A_34 {strides = array<i32>} : memref<10112x32xf32, #tpu.memory_space<vmem>>, vector<10112x32xf32>,
    return
  }
}

module attributes {stable_mosaic.version = 14 : i64} {
  func.func @_final_body(%arg0: memref<2x10112x32xf32, #tpu.memory_space<vmem>>, %arg1: memref<10112x32xf32, #tpu.memory_space<vmem>>, %arg2: memref<1x32xf32, #tpu.memory_space<vmem>>, %arg3: memref<32x32xf32, #tpu.memory_space<vmem>>, %arg4: memref<32x32xf32, #tpu.memory_space<vmem>>, %arg5: memref<1x32xf32, #tpu.memory_space<vmem>>, %arg6: memref<10000x32xf32, #tpu.memory_space<vmem>>, %arg7: memref<10000x32xf32, #tpu.memory_space<vmem>>) attributes {dimension_semantics = [], scalar_prefetch = 0 : i64, scratch_operands = 0 : i64, tpu.core_type = #tpu.core_type<tc>} {
    %get3A = arith.constant 0 : index
    %get3A_0 = arith.constant 0 : index
    %get3A_1 = vector.load %arg1[%get3A, %get3A_0] : memref<10112x32xf32, #tpu.memory_space<vmem>>, vector<10000x32xf32>
    %get3A_2 = arith.constant 0 : index
    %get3A_3 = arith.constant 0 : index
    %get3A_4 = arith.constant 0 : index
    %get3A_5 = vector.load %arg0[%get3A_2, %get3A_3, %get3A_4] : memref<2x10112x32xf32, #tpu.memory_space<vmem>>, vector<1x10000x32xf32>
    %get3A_6 = vector.shape_cast %get3A_5 : vector<1x10000x32xf32> to vector<10000x32xf32>
    %get3A_7 = arith.constant 1 : index
    %get3A_8 = arith.constant 0 : index
    %get3A_9 = arith.constant 0 : index
    %get3A_10 = vector.load %arg0[%get3A_7, %get3A_8, %get3A_9] : memref<2x10112x32xf32, #tpu.memory_space<vmem>>, vector<1x10000x32xf32>
    %get3A_11 = vector.shape_cast %get3A_10 : vector<1x10000x32xf32> to vector<10000x32xf32>
    %add3A = arith.addf %get3A_6, %get3A_11 : vector<10000x32xf32>
    %add3A_12 = arith.addf %add3A, %get3A_1 : vector<10000x32xf32>
    %get3A_13 = arith.constant 0 : index
    %get3A_14 = arith.constant 0 : index
    %get3A_15 = vector.load %arg2[%get3A_13, %get3A_14] : memref<1x32xf32, #tpu.memory_space<vmem>>, vector<1x32xf32>
    %add3A_16 = vector.broadcast %get3A_15 : vector<1x32xf32> to vector<10000x32xf32>
    %add3A_17 = arith.addf %add3A_12, %add3A_16 : vector<10000x32xf32>
    %max3A = arith.constant 0.000000e+00 : f32
    %max3A_18 = vector.broadcast %max3A : f32 to vector<10000x32xf32>
    %max3A_19 = arith.maximumf %add3A_17, %max3A_18 : vector<10000x32xf32>
    %get3A_20 = arith.constant 0 : index
    %get3A_21 = arith.constant 0 : index
    %get3A_22 = vector.load %arg3[%get3A_20, %get3A_21] : memref<32x32xf32, #tpu.memory_space<vmem>>, vector<32x32xf32>
    %dot_general3A = arith.constant dense<0.000000e+00> : vector<10000x32xf32>
    %dot_general3A_23 = tpu.matmul %max3A_19, %get3A_22, %dot_general3A {dimension_numbers = #tpu.dot_dimension_numbers<[1], [0], [0], [1], [0, 0, 1, 1], [], []>, transpose_lhs_hint = false} : vector<10000x32xf32>, vector<32x32xf32>, vector<10000x32xf32> -> vector<10000x32xf32>
    %get3A_24 = arith.constant 0 : index
    %get3A_25 = arith.constant 0 : index
    %get3A_26 = vector.load %arg4[%get3A_24, %get3A_25] : memref<32x32xf32, #tpu.memory_space<vmem>>, vector<32x32xf32>
    %dot_general3A_27 = arith.constant dense<0.000000e+00> : vector<10000x32xf32>
    %dot_general3A_28 = tpu.matmul %get3A_1, %get3A_26, %dot_general3A_27 {dimension_numbers = #tpu.dot_dimension_numbers<[1], [0], [0], [1], [0, 0, 1, 1], [], []>, transpose_lhs_hint = false} : vector<10000x32xf32>, vector<32x32xf32>, vector<10000x32xf32> -> vector<10000x32xf32>
    %add3A_29 = arith.addf %dot_general3A_23, %dot_general3A_28 : vector<10000x32xf32>
    %get3A_30 = arith.constant 0 : index
    %get3A_31 = arith.constant 0 : index
    %get3A_32 = vector.load %arg5[%get3A_30, %get3A_31] : memref<1x32xf32, #tpu.memory_space<vmem>>, vector<1x32xf32>
    %add3A_33 = vector.broadcast %get3A_32 : vector<1x32xf32> to vector<10000x32xf32>
    %add3A_34 = arith.addf %add3A_29, %add3A_33 : vector<10000x32xf32>
    %get3A_35 = arith.constant 0 : index
    %get3A_36 = arith.constant 0 : index
    %get3A_37 = vector.load %arg6[%get3A_35, %get3A_36] : memref<10000x32xf32, #tpu.memory_space<vmem>>, vector<10000x32xf32>
    %add3A_38 = arith.addf %add3A_34, %get3A_37 : vector<10000x32xf32>
    %swap3A = arith.constant 0 : index
    %swap3A_39 = arith.constant 0 : index
    %swap3A_40 = vector.load %arg7[%swap3A, %swap3A_39] : memref<10000x32xf32, #tpu.memory_space<vmem>>, vector<10000x32xf32>
    tpu.vector_store %arg7[%swap3A, %swap3A_39], %add3A_38 {strides = array<i32>} : memref<10000x32xf32, #tpu.memory_space<vmem>>, vector<10000x32xf32>,
    return
  }
}

</mosaic_0001>

<sc_bundles>
// kernel: kernel.11.cloned.1.call-start
scs
__scs_entry_jumppad:
0x0: {  	(pc) =	sbr.rel $0x88, $3  }
0x1: {  	(tag) =	ssettag $0x0;
	lr =	simm.s32 $0x1  }
0x2: {  	[smem:$0x3F95] =	sst lr;
	_ =	strace $0xD0000000  }
0x3: {  	_ = 	snop  }
0x4: {  	_ = 	snop  }
0x5: {  	_ = 	snop  }
0x6: {  	_ = 	snop  }
0x7: {  	_ = 	snop  }
__scs_overlays_trampoline_lowered:
0x8: {  	[smem:$0x3FA4] =	sst s0  }
0x9: {  	[smem:$0x3FA5] =	sst s1  }
0xa: {  	[smem:$0x3FA6] =	sst s2  }
0xb: {  	[smem:$0x3FA7] =	sst s3  }
0xc: {  	[smem:$0x3FA8] =	sst s4  }
0xd: {  	[smem:$0x3FA9] =	sst s5  }
0xe: {  	[smem:$0x3FAA] =	sst s6  }
0xf: {  	[smem:$0x3FAB] =	sst s7  }
0x10: {  	[smem:$0x3FAC] =	sst s8  }
0x11: {  	[smem:$0x3FAD] =	sst s9;
	s0 =	simm.s32 @!p0 $0x0  }
0x12: {  	s1 =	sld [smem:$0x3F93];
	s0 =	simm.s32 @p0 $0x1  }
0x13: {  	[smem:$0x3FAE] =	sst s0;
	s0 =	simm.s32 @!p1 $0x0  }
0x14: {  	s2 =	sld [smem:$0x3F92];
	s0 =	simm.s32 @p1 $0x1  }
0x15: {  	[smem:$0x3FAF] =	sst s0;
	s0 =	simm.s32 @!p2 $0x0  }
0x16: {  	s3 =	sld [smem:$0x3FDB];
	s0 =	simm.s32 @p2 $0x1  }
0x17: {  	s4 =	simm.s32 $0x1BF5;
	[smem:$0x3FB1] =	sst s0  }
0x18: {  	s0 =	sld [smem:$0x3F94];
	_ =	swait.ge [sflag:s4], $0x0  }
0x19: {  	s7 =	sld [smem:$0x3F95]  }
0x1a: {  	s8 =	sadd.s32 $0xFFFFE003, lr  }
0x1b: {  	s9 =	sadd.s32 $0xFFFFFEF7, lr;
	s5 =	simm.s32 $0xFFFFFFFF;
	p2 =	slt.u32 s8, $0xFFFFF086  }
0x1c: {  	p1 =	slt.u32 s9, $0xF7A;
	s5 =	simm.s32 @!p2 $0x0  }
0x1d: {  	s5 =	simm.s32 @p1 $0x1;
	p0 =	seq.s32 s7, s2  }
0x1e: {  	s7 =	smul.u32 @!p0 $0xF7A, s2;
	p2 =	seq.s32 @!p0 s5, $0x0  }
0x1f: {  	s9 =	smul.u32 $0xF7A, s1;
	s8 =	simm.s32 @!p0 $0x1BF5;
	p2 =	por !p2, p0  }
0x20: {  	[sflag:s8] =	ssyncset.s32 @!p0 $0xFFFFF086;
	s6 =	sadd.s32 @!p0 s3, s7;
	s7 =	simm.s32 @!p0 $0x108  }
0x21: {  	s3 =	sadd.s32 s3, s9;
	s6 =	sadd.s32 @!p0 $0x88, s6;
	s7 =	simm.s32 @p2 $0x1082  }
0x22: {  	[simem:s7], [sflag:s8] =	dma.local @!p0 [hbm:s6], $0xF7A  }
0x23: {  	s9 =	sor.u32 $0xD0000000, s2;
	s6 =	simm.s32 $0x108;
	_ =	swait.ge @!p0 [sflag:s8], $0x0  }
0x24: {  	s3 =	sadd.s32 $0x88, s3;
	s6 =	simm.s32 @!p1 $0x1082;
	[sflag:s4] =	ssyncset.s32 $0xFFFFF086  }
0x25: {  	[simem:s6], [sflag:s4] =	dma.local [hbm:s3], $0xF7A  }
0x26: {  	[smem:$0x3F95] =	sst s1;
	(tag) =	ssettag s2;
	_ =	strace s9  }
0x27: {  	s1 =	sld [smem:$0x3FA5]  }
0x28: {  	s2 =	sld [smem:$0x3FA6]  }
0x29: {  	s4 =	sld [smem:$0x3FA8]  }
0x2a: {  	p0 =	seq.s32 s5, $0x0;
	s5 =	sld [smem:$0x3FA9]  }
0x2b: {  	s6 =	sld [smem:$0x3FAA]  }
0x2c: {  	s7 =	sld [smem:$0x3FAB]  }
0x2d: {  	s3 =	simm.s32 $0x108;
	s8 =	sld [smem:$0x3FAC]  }
0x2e: {  	s3 =	simm.s32 @!p0 $0x1082;
	s9 =	sld [smem:$0x3FAD]  }
0x2f: {  	lr =	sadd.s32 s0, s3;
	s0 =	sld [smem:$0x3FA4]  }
0x30: {  	s3 =	sld [smem:$0x3FA7]  }
0x31: {  	[smem:$0x3FB0] =	sst s10  }
0x32: {  	s10 =	sld [smem:$0x3FAE];
	_ =	sdelay $0x3  }
0x33: {  	p0 =	seq.s32 s10, $0x1;
	s10 =	sld [smem:$0x3FB0];
	_ =	sdelay $0x3  }
0x34: {  	[smem:$0x3FB0] =	sst s10  }
0x35: {  	s10 =	sld [smem:$0x3FAF];
	_ =	sdelay $0x3  }
0x36: {  	p1 =	seq.s32 s10, $0x1;
	s10 =	sld [smem:$0x3FB0];
	_ =	sdelay $0x3  }
0x37: {  	[smem:$0x3FB0] =	sst s10  }
0x38: {  	s10 =	sld [smem:$0x3FB1]  }
0x39: {  	_ = 	snop;
	(pc) =	sbr.ind lr, $3  }
0x3a: {  	_ = 	snop  }
0x3b: {  	_ = 	snop  }
0x3c: {  	p2 =	seq.s32 s10, $0x1;
	s10 =	sld [smem:$0x3FB0]  }
0x3d: {  	_ =	shalt  }
0x3e: {  	_ =	shalt  }
0x3f: {  	_ =	shalt  }
0x40: {  	_ =	shalt  }
0x41: {  	_ =	shalt  }
0x42: {  	_ =	shalt  }
0x43: {  	_ =	shalt  }
0x44: {  	_ =	shalt  }
0x45: {  	_ =	shalt  }
0x46: {  	_ =	shalt  }
0x47: {  	_ =	shalt  }
0x48: {  	_ =	shalt  }
0x49: {  	_ =	shalt  }
0x4a: {  	_ =	shalt  }
0x4b: {  	_ =	shalt  }
0x4c: {  	_ =	shalt  }
0x4d: {  	_ =	shalt  }
0x4e: {  	_ =	shalt  }
0x4f: {  	_ =	shalt  }
0x50: {  	_ =	shalt  }
0x51: {  	_ =	shalt  }
0x52: {  	_ =	shalt  }
0x53: {  	_ =	shalt  }
0x54: {  	_ =	shalt  }
0x55: {  	_ =	shalt  }
0x56: {  	_ =	shalt  }
0x57: {  	_ =	shalt  }
0x58: {  	_ =	shalt  }
0x59: {  	_ =	shalt  }
0x5a: {  	_ =	shalt  }
0x5b: {  	_ =	shalt  }
0x5c: {  	_ =	shalt  }
0x5d: {  	_ =	shalt  }
0x5e: {  	_ =	shalt  }
0x5f: {  	_ =	shalt  }
0x60: {  	_ =	shalt  }
0x61: {  	_ =	shalt  }
0x62: {  	_ =	shalt  }
0x63: {  	_ =	shalt  }
0x64: {  	_ =	shalt  }
0x65: {  	_ =	shalt  }
0x66: {  	_ =	shalt  }
0x67: {  	_ =	shalt  }
0x68: {  	_ =	shalt  }
0x69: {  	_ =	shalt  }
0x6a: {  	_ =	shalt  }
0x6b: {  	_ =	shalt  }
0x6c: {  	_ =	shalt  }
0x6d: {  	_ =	shalt  }
0x6e: {  	_ =	shalt  }
0x6f: {  	_ =	shalt  }
0x70: {  	_ =	shalt  }
0x71: {  	_ =	shalt  }
0x72: {  	_ =	shalt  }
0x73: {  	_ =	shalt  }
0x74: {  	_ =	shalt  }
0x75: {  	_ =	shalt  }
0x76: {  	_ =	shalt  }
0x77: {  	_ =	shalt  }
0x78: {  	_ =	shalt  }
0x79: {  	_ =	shalt  }
0x7a: {  	_ =	shalt  }
0x7b: {  	_ =	shalt  }
0x7c: {  	_ =	shalt  }
0x7d: {  	_ =	shalt  }
0x7e: {  	_ =	shalt  }
0x7f: {  	_ =	shalt  }
0x80: {  	_ =	shalt  }
0x81: {  	_ =	shalt  }
0x82: {  	_ =	shalt  }
0x83: {  	_ =	shalt  }
0x84: {  	_ =	shalt  }
0x85: {  	_ =	shalt  }
0x86: {  	_ =	shalt  }
0x87: {  	_ =	shalt  }
.Lfunc_end0:
.L_simem_size_0:
called_computation_lowered:
.L_overlay_start_0:
0x88: {  	s2 =	sld [smem:$0x3FD9]  }
0x89: {  	s3 =	sld [smem:$0x3FFE];
	_ =	sdelay $0x1  }
0x8a: {  	s1 =	srdreg.scid  }
0x8b: {  	s0 =	sand.u32 $0x1, s1  }
0x8c: {  	s17 =	sshll.u32 s0, $0xA;
	s2 =	sadd.s32 s3, s2  }
0x8d: {  	s2 =	sadd.s32 s2, s17  }
0x8e: {  	[smem:$0x3FBC] =	sst s2  }
0x8f: {  	_ = 	snop  }
0x90: {  	s2 =	sld [smem:$0x3FD0];
	(tm) =	ssettm $0x1  }
0x91: {  	s18 =	sld [smem:$0x3FFB];
	_ =	sdelay $0x3  }
0x92: {  	_ =	strace s18  }
0x93: {  	s3 =	sld [smem:$0x3FFC];
	_ =	sdelay $0x3  }
0x94: {  	_ =	strace s3  }
0x95: {  	s3 =	sld [smem:$0x3FFD];
	_ =	sdelay $0x3  }
0x96: {  	_ =	strace s3  }
0x97: {  	_ =	strace $0x8FFFFFFF  }
0x98: {  	s19 =	sld [smem:$0x3FDB];
	_ =	sdelay $0x1  }
0x99: {  	s4 =	simm.s32 $_scs_section_size  }
0x9a: {  	s5 =	simm.s32 $_size__tile_overlayer_lowered;
	s6 =	simm.s32 $_tile_overlayer_lowered  }
0x9b: {  	s22 =	simm.s32 $0x1BFF;
	s21 =	sshll.u32 s6, $0x1;
	s3 =	sadd.s32 s4, s19  }
0x9c: {  	s7 =	simm.s32 $0x0;
	s20 =	sshll.u32 s5, $0x1;
	s5 =	sadd.s32 s21, s3  }
0x9d: {  	[timem:s7], [sflag:s22] =	dma.local [hbm:s5], s20  }
0x9e: {  	_ =	swait.ge [sflag:s22], s20  }
0x9f: {  	s4 =	ssub.s32 $0x0, s20;
	[sflag:s22] =	ssyncset.done $0x0  }
0xa0: {  	[sflag:s22] =	ssyncadd.s32 s4;
	_ =	sdelay $0x1  }
0xa1: {  	s23 =	simm.s32 $0x1B8B  }
0xa2: {  	_ =	swait.ge [sflag:s23], $0x1  }
0xa3: {  	[sflag:s23] =	ssyncset.done $0x0  }
0xa4: {  	s25 =	simm.s32 $0x1B8E;
	s24 =	sld [smem:$0x3FFE];
	[sflag:s23] =	ssyncadd.s32 $0xFFFFFFFF  }
0xa5: {  	s26 =	simm.s32 $execute0_lowered;
	[smem:$0x3FD2] =	sst s25  }
0xa6: {  	s5 =	sshll.u32 s26, $0x1;
	_ =	strace $0x80000046;
	[dreg:$0x1] =	wrdreg $0xFFFFFFFF  }
0xa7: {  	s28 =	simm.s32 $_size_execute0_lowered;
	s3 =	sadd.s32 s3, s5;
	[dreg:$0x0] =	wrdreg $0x0  }
0xa8: {  	s5 =	sshll.u32 s28, $0x1;
	[dreg:$0x2] =	wrdreg s3  }
0xa9: {  	[dreg:$0x3] =	wrdreg s5  }
0xaa: {  	[dreg:$0x4] =	wrdreg $0xC0  }
0xab: {  	_ =	task [dreg:s7], $0x5FFFF  }
0xac: {  	[dreg:$0x1] =	wrdreg $0xFFFFFFFF  }
0xad: {  	[dreg:$0x0] =	wrdreg $0x60  }
0xae: {  	[dreg:$0x2] =	wrdreg s2  }
0xaf: {  	[dreg:$0x3] =	wrdreg s24  }
0xb0: {  	[dreg:$0x4] =	wrdreg $0x19C800  }
0xb1: {  	[dreg:$0x5] =	wrdreg $0x9  }
0xb2: {  	_ =	task.clear_ibuf [dreg:s7], $0x6FFFF;
	_ =	strace $0x90000046  }
0xb3: {  	s29 =	simm.s32 $0x9;
	_ =	strace $0x80000048  }
0xb4: {  	_ =	swait.ge [sflag:s29], $0x1  }
0xb5: {  	[sflag:s29] =	ssyncadd.s32 $0xFFFFFFFF  }
0xb6: {  	_ =	strace $0x90000048  }
0xb7: {  	_ =	sfence  }
0xb8: {  	s30 =	sld [smem:$0x0];
	_ =	sdelay $0x2  }
0xb9: {  	s31 =	sshll.u32 s1, $0xD;
	s1 =	sshrl.u32 s1, $0x2  }
0xba: {  	s3 =	sand.u32 $0x4000, s31;
	s1 =	sadd.s32 s1, s30  }
0xbb: {  	s0 =	sor.u32 s3, s0;
	s1 =	sshll.u32 s1, $0x11  }
0xbc: {  	s0 =	sor.u32 s1, s0  }
0xbd: {  	s0 =	sadd.s32 $0x8F2B, s0  }
0xbe: {  	[sflag:s0] =	ssyncadd.remote.s32 $0x1  }
0xbf: {  	_ =	sfence.sel $0xFFFF  }
0xc0: {  	[dreg:$0x0] =	wrdreg $0xFFFFFFFF;
	(pc) =	sbr.abs _section_cstart, $3  }
0xc1: {  	[dreg:$0x1] =	wrdreg $0xFFFFFFFF  }
0xc2: {  	_ =	task.clear_ibuf [dreg:s7], $0x2FFFF;
	_ =	strace $0x9FFFFFFF  }
0xc3: {  	(tm) =	ssettm $0x7FFFFFFF  }
tec
execute0_lowered:
.L_overlay_start_1:
0x0: {  	(tag) =	ssettag $0x1  }
0x1: {  	s1 =	rddreg [dreg:$0x0]  }
0x2: {  	s4 =	rddreg [dreg:$0x1]  }
0x3: {  	s3 =	rddreg [dreg:$0x2];
	s2 =	simm.s32 $0x0  }
0x4: {  	s20 =	simm.s32 $0x1C80;
	[smem:$0x7FF] =	sst s2  }
0x5: {  	s21 =	simm.s32 $0x100;
	_ =	strace $0x80000047;
	[dreg:$0x9] =	wrdreg s20  }
0x6: {  	s22 =	simm.s32 $0x2C80;
	[dreg:$0xa] =	wrdreg s21  }
0x7: {  	s23 =	simm.s32 $0x180;
	[dreg:$0xb] =	wrdreg s22  }
0x8: {  	s9 =	stileid.u32;
	s24 =	simm.s32 $0x3C80;
	[dreg:$0xc] =	wrdreg s23  }
0x9: {  	s25 =	simm.s32 $0x200;
	s26 =	simm.s32 $0x4C80;
	[dreg:$0xd] =	wrdreg s24  }
0xa: {  	s5 =	sshll.u32 s9, $0x1;
	s6 =	smul.u32 $0x4F00, s9;
	[dreg:$0xe] =	wrdreg s25  }
0xb: {  	s14 =	sshll.u32 s9, $0x6;
	s9 =	simm.s32 $0x7C80;
	[dreg:$0xf] =	wrdreg s26  }
0xc: {  	s10 =	simm.s32 $0x400;
	[dreg:$0x15] =	wrdreg s9  }
0xd: {  	s11 =	simm.s32 $0x8C80;
	[dreg:$0x16] =	wrdreg s10  }
0xe: {  	s12 =	simm.s32 $0x480;
	[dreg:$0x17] =	wrdreg s11  }
0xf: {  	s13 =	simm.s32 $0x9C80;
	[dreg:$0x18] =	wrdreg s12  }
0x10: {  	s15 =	sor.u32 $0x1C02, s14;
	[dreg:$0x19] =	wrdreg s13  }
0x11: {  	s14 =	simm.s32 $0x500;
	[dreg:$0x5] =	wrdreg s15  }
0x12: {  	s21 =	simm.s32 $0xCC80;
	[dreg:$0x1a] =	wrdreg s14  }
0x13: {  	s23 =	simm.s32 $0x680;
	s8 =	sshrl.u32 s6, $0x3;
	[dreg:$0x1f] =	wrdreg s21  }
0x14: {  	s17 =	sadd.s32 s6, s3;
	s6 =	simm.s32 $0x300;
	[smem:$0x7FD] =	sst s23  }
0x15: {  	s0 =	srdreg.scid;
	s15 =	simm.s32 $0xAC80;
	[dreg:$0x12] =	wrdreg s6  }
0x16: {  	s0 =	sand.u32 $0x1, s0;
	s1 =	sadd.s32 s1, s8;
	[dreg:$0x1b] =	wrdreg s15  }
0x17: {  	s5 =	sor.u32 s0, s5;
	s19 =	sshrl.u32 s17, $0x3;
	[dreg:$0x4] =	wrdreg s1  }
0x18: {  	s7 =	smul.u32 $0x190, s5;
	s8 =	simm.s32 $0x380;
	[dreg:$0x8] =	wrdreg s19  }
0x19: {  	s5 =	smul.u32 $0x3200, s5;
	s17 =	simm.s32 $0xBC80;
	[dreg:$0x14] =	wrdreg s8  }
0x1a: {  	s7 =	sadd.s32 s7, s4;
	[dreg:$0x1d] =	wrdreg s17  }
0x1b: {  	s4 =	sadd.s32 s5, s4;
	s5 =	simm.s32 $0x5C80;
	s19 =	rddreg [dreg:$0x5]  }
0x1c: {  	[dreg:$0x11] =	wrdreg s5  }
0x1d: {  	s20 =	rddreg [dreg:$0x8]  }
0x1e: {  	s16 =	sadd.s32 $0x2A800, s7;
	s22 =	rddreg [dreg:$0x4]  }
0x1f: {  	s18 =	sadd.s32 $0x30C00, s4;
	[dreg:$0x6] =	wrdreg s16  }
0x20: {  	s4 =	simm.s32 $0x280;
	[dreg:$0x7] =	wrdreg s18  }
0x21: {  	s7 =	simm.s32 $0x6C80;
	[dreg:$0x10] =	wrdreg s4  }
0x22: {  	[dreg:$0x13] =	wrdreg s7;
	s16 =	simm.s32 $0x580  }
0x23: {  	s28 =	simm.s32 $0xB80;
	s18 =	simm.s32 $0x600;
	[dreg:$0x1c] =	wrdreg s16  }
0x24: {  	s29 =	simm.s32 $0x17C80;
	s4 =	simm.s32 $0x2;
	[dreg:$0x1e] =	wrdreg s18  }
0x25: {  	[spmem:s20], [sflag:s19] =	dma.local [hbm:s22], $0x9E0  }
0x26: {  	s30 =	simm.s32 $0xC00;
	s0 =	ssub.s32 $0x2, s0;
	_ =	swait.ge [sflag:s4], $0x9E0  }
0x27: {  	s31 =	simm.s32 $0x18C80;
	s24 =	sshrl.u32 s0, $0x1;
	[sflag:s4] =	ssyncset.done $0x0  }
0x28: {  	s21 =	simm.s32 $0xA00;
	s25 =	rddreg [dreg:$0x6];
	[sflag:s4] =	ssyncadd.s32 $0xFFFFF620  }
0x29: {  	[tilespmem:s2], [sflag:$0x2] =	stream.linear.gather [hbm4b:s25+s2], $0xC80, $0x38;
	[tilespmem:$0x1EB80] =	vst v63  }
0x2a: {  	s23 =	simm.s32 $0xA80;
	s0 =	ssub.s32 s0, s24;
	_ =	swait.ge [sflag:s4], $0xC80  }
0x2b: {  	s24 =	simm.s32 $0x15C80;
	s6 =	simm.s32 $0x1;
	[sflag:s4] =	ssyncset.done $0x0  }
0x2c: {  	s0 =	smax.u32 s0, $0x1;
	s5 =	simm.s32 $0xC80;
	[sflag:s4] =	ssyncadd.s32 $0xFFFFF380  }
0x2d: {  	p0 =	sne.s32 s0, $0x1;
	s0 =	sadd.s32 $0xFFFFFFFF, s0;
	[bflag:$0x0] =	sbarrier.arrive $0xFFFF  }
.Ltmp0:
0x2e: {  	s7 =	simm.s32 $0x80;
	s26 =	rddreg [dreg:$0x9];
	(pc) =	sbr.rel @!p0 .LBB2_2-.Ltmp0, $4  }
0x2f: {  	[tilespmem:s5], [sflag:$0x1] =	stream.indirect.gather [spmem:s3], $0x20, s2, s7, $0xb8;
	[tilespmem:$0x1EB80] =	vst v63  }
0x30: {  	s20 =	simm.s32 $0x13C80;
	s22 =	simm.s32 $0x14C80;
	s1 =	rddreg [dreg:$0x1f]  }
0x31: {  	[tilespmem:s26], [sflag:$0x1] =	stream.indirect.gather [spmem:s3], $0x20, s7, s7, $0xb8;
	[tilespmem:$0x1EB80] =	vst v63  }
0x32: {  	s25 =	simm.s32 $0xB00;
	s8 =	rddreg [dreg:$0x1d];
	s26 =	simm.s32 $0x16C80  }
.LBB2_1:
0x33: {  	s9 =	rddreg [dreg:$0x1b]  }
0x34: {  	s10 =	rddreg [dreg:$0x19]  }
0x35: {  	s11 =	rddreg [dreg:$0x17]  }
0x36: {  	s12 =	rddreg [dreg:$0x15]  }
0x37: {  	s13 =	rddreg [dreg:$0x13]  }
0x38: {  	s14 =	rddreg [dreg:$0x11]  }
0x39: {  	s15 =	rddreg [dreg:$0xf]  }
0x3a: {  	s16 =	rddreg [dreg:$0xb]  }
0x3b: {  	s17 =	rddreg [dreg:$0xa]  }
0x3c: {  	s18 =	rddreg [dreg:$0xd]  }
0x3d: {  	s19 =	rddreg [dreg:$0xc]  }
0x3e: {  	[tilespmem:s16], [sflag:$0x1] =	stream.indirect.gather [spmem:s3], $0x20, s17, s7, $0xb8;
	[tilespmem:$0x1EB80] =	vst v63  }
0x3f: {  	s17 =	rddreg [dreg:$0xe]  }
0x40: {  	[tilespmem:s18], [sflag:$0x1] =	stream.indirect.gather [spmem:s3], $0x20, s19, s7, $0xb8;
	[tilespmem:$0x1EB80] =	vst v63  }
0x41: {  	s16 =	rddreg [dreg:$0x16]  }
0x42: {  	[tilespmem:s15], [sflag:$0x1] =	stream.indirect.gather [spmem:s3], $0x20, s17, s7, $0xb8;
	[tilespmem:$0x1EB80] =	vst v63  }
0x43: {  	s19 =	rddreg [dreg:$0x10]  }
0x44: {  	[tilespmem:s14], [sflag:$0x1] =	stream.indirect.gather [spmem:s3], $0x20, s19, s7, $0xb8;
	[tilespmem:$0x1EB80] =	vst v63  }
0x45: {  	s18 =	rddreg [dreg:$0x12]  }
0x46: {  	[tilespmem:s13], [sflag:$0x1] =	stream.indirect.gather [spmem:s3], $0x20, s18, s7, $0xb8;
	[tilespmem:$0x1EB80] =	vst v63  }
0x47: {  	s19 =	rddreg [dreg:$0x14]  }
0x48: {  	[tilespmem:s12], [sflag:$0x1] =	stream.indirect.gather [spmem:s3], $0x20, s19, s7, $0xb8;
	[tilespmem:$0x1EB80] =	vst v63  }
0x49: {  	s17 =	rddreg [dreg:$0x18]  }
0x4a: {  	[tilespmem:s11], [sflag:$0x1] =	stream.indirect.gather [spmem:s3], $0x20, s16, s7, $0xb8;
	[tilespmem:$0x1EB80] =	vst v63  }
0x4b: {  	s18 =	rddreg [dreg:$0x1a]  }
0x4c: {  	[tilespmem:s10], [sflag:$0x1] =	stream.indirect.gather [spmem:s3], $0x20, s17, s7, $0xb8;
	[tilespmem:$0x1EB80] =	vst v63  }
0x4d: {  	s19 =	rddreg [dreg:$0x1c]  }
0x4e: {  	[tilespmem:s9], [sflag:$0x1] =	stream.indirect.gather [spmem:s3], $0x20, s18, s7, $0xb8;
	[tilespmem:$0x1EB80] =	vst v63  }
0x4f: {  	s12 =	sld [smem:$0x7FD]  }
0x50: {  	[tilespmem:s8], [sflag:$0x1] =	stream.indirect.gather [spmem:s3], $0x20, s19, s7, $0xb8;
	[tilespmem:$0x1EB80] =	vst v63  }
0x51: {  	s11 =	rddreg [dreg:$0x1e]  }
0x52: {  	[tilespmem:s1], [sflag:$0x1] =	stream.indirect.gather [spmem:s3], $0x20, s11, s7, $0xb8;
	[tilespmem:$0x1EB80] =	vst v63  }
0x53: {  	s13 =	simm.s32 $0xDC80  }
0x54: {  	[tilespmem:s13], [sflag:$0x1] =	stream.indirect.gather [spmem:s3], $0x20, s12, s7, $0xb8;
	[tilespmem:$0x1EB80] =	vst v63  }
0x55: {  	s15 =	simm.s32 $0xEC80;
	s14 =	simm.s32 $0x700  }
0x56: {  	[tilespmem:s15], [sflag:$0x1] =	stream.indirect.gather [spmem:s3], $0x20, s14, s7, $0xb8;
	[tilespmem:$0x1EB80] =	vst v63  }
0x57: {  	s16 =	simm.s32 $0x780;
	s17 =	simm.s32 $0xFC80  }
0x58: {  	[tilespmem:s17], [sflag:$0x1] =	stream.indirect.gather [spmem:s3], $0x20, s16, s7, $0xb8;
	[tilespmem:$0x1EB80] =	vst v63  }
0x59: {  	s18 =	simm.s32 $0x800;
	s19 =	simm.s32 $0x10C80  }
0x5a: {  	[tilespmem:s19], [sflag:$0x1] =	stream.indirect.gather [spmem:s3], $0x20, s18, s7, $0xb8;
	[tilespmem:$0x1EB80] =	vst v63  }
0x5b: {  	s10 =	simm.s32 $0x11C80;
	s9 =	simm.s32 $0x880  }
0x5c: {  	[tilespmem:s10], [sflag:$0x1] =	stream.indirect.gather [spmem:s3], $0x20, s9, s7, $0xb8;
	[tilespmem:$0x1EB80] =	vst v63  }
0x5d: {  	s11 =	simm.s32 $0x900;
	s12 =	simm.s32 $0x12C80  }
0x5e: {  	[tilespmem:s12], [sflag:$0x1] =	stream.indirect.gather [spmem:s3], $0x20, s11, s7, $0xb8;
	[tilespmem:$0x1EB80] =	vst v63  }
0x5f: {  	s13 =	simm.s32 $0x980  }
0x60: {  	[tilespmem:s20], [sflag:$0x1] =	stream.indirect.gather [spmem:s3], $0x20, s13, s7, $0xb8;
	[tilespmem:$0x1EB80] =	vst v63  }
0x61: {  	_ = 	snop  }
0x62: {  	[tilespmem:s22], [sflag:$0x1] =	stream.indirect.gather [spmem:s3], $0x20, s21, s7, $0xb8;
	[tilespmem:$0x1EB80] =	vst v63  }
0x63: {  	_ = 	snop  }
0x64: {  	[tilespmem:s24], [sflag:$0x1] =	stream.indirect.gather [spmem:s3], $0x20, s23, s7, $0xb8;
	[tilespmem:$0x1EB80] =	vst v63  }
0x65: {  	_ = 	snop  }
0x66: {  	[tilespmem:s26], [sflag:$0x1] =	stream.indirect.gather [spmem:s3], $0x20, s25, s7, $0xb8;
	[tilespmem:$0x1EB80] =	vst v63  }
0x67: {  	_ = 	snop  }
0x68: {  	[tilespmem:s29], [sflag:$0x1] =	stream.indirect.gather [spmem:s3], $0x20, s28, s7, $0xb8;
	[tilespmem:$0x1EB80] =	vst v63  }
0x69: {  	_ = 	snop  }
0x6a: {  	[tilespmem:s31], [sflag:$0x1] =	stream.indirect.gather [spmem:s3], $0x20, s30, s7, $0xb8;
	[tilespmem:$0x1EB80] =	vst v63  }
0x6b: {  	_ =	swait.ge [sflag:s6], $0x1000  }
0x6c: {  	[sflag:s6] =	ssyncset.done $0x0  }
0x6d: {  	[sflag:s6] =	ssyncadd.s32 $0xFFFFF000  }
0x6e: {  	_ =	swait.ge [sflag:s6], $0x1000  }
0x6f: {  	[sflag:s6] =	ssyncset.done $0x0  }
0x70: {  	[sflag:s6] =	ssyncadd.s32 $0xFFFFF000  }
0x71: {  	_ =	swait.ge [sflag:s6], $0x1000  }
0x72: {  	[sflag:s6] =	ssyncset.done $0x0  }
0x73: {  	[sflag:s6] =	ssyncadd.s32 $0xFFFFF000  }
0x74: {  	_ =	swait.ge [sflag:s6], $0x1000  }
0x75: {  	[sflag:s6] =	ssyncset.done $0x0  }
0x76: {  	[sflag:s6] =	ssyncadd.s32 $0xFFFFF000  }
0x77: {  	_ =	swait.ge [sflag:s6], $0x1000  }
0x78: {  	[sflag:s6] =	ssyncset.done $0x0  }
0x79: {  	[sflag:s6] =	ssyncadd.s32 $0xFFFFF000  }
0x7a: {  	_ =	swait.ge [sflag:s6], $0x1000  }
0x7b: {  	[sflag:s6] =	ssyncset.done $0x0  }
0x7c: {  	[sflag:s6] =	ssyncadd.s32 $0xFFFFF000  }
0x7d: {  	_ =	swait.ge [sflag:s6], $0x1000  }
0x7e: {  	[sflag:s6] =	ssyncset.done $0x0  }
0x7f: {  	[sflag:s6] =	ssyncadd.s32 $0xFFFFF000  }
0x80: {  	_ =	swait.ge [sflag:s6], $0x1000  }
0x81: {  	[sflag:s6] =	ssyncset.done $0x0  }
0x82: {  	[sflag:s6] =	ssyncadd.s32 $0xFFFFF000  }
0x83: {  	_ =	swait.ge [sflag:s6], $0x1000  }
0x84: {  	[sflag:s6] =	ssyncset.done $0x0  }
0x85: {  	[sflag:s6] =	ssyncadd.s32 $0xFFFFF000  }
0x86: {  	_ =	swait.ge [sflag:s6], $0x1000  }
0x87: {  	[sflag:s6] =	ssyncset.done $0x0  }
0x88: {  	[sflag:s6] =	ssyncadd.s32 $0xFFFFF000  }
0x89: {  	_ =	swait.ge [sflag:s6], $0x1000  }
0x8a: {  	[sflag:s6] =	ssyncset.done $0x0  }
0x8b: {  	[sflag:s6] =	ssyncadd.s32 $0xFFFFF000  }
0x8c: {  	_ =	swait.ge [sflag:s6], $0x1000  }
0x8d: {  	[sflag:s6] =	ssyncset.done $0x0  }
0x8e: {  	[sflag:s6] =	ssyncadd.s32 $0xFFFFF000  }
0x8f: {  	_ =	swait.ge [sflag:s6], $0x1000  }
0x90: {  	[sflag:s6] =	ssyncset.done $0x0  }
0x91: {  	[sflag:s6] =	ssyncadd.s32 $0xFFFFF000  }
0x92: {  	_ =	swait.ge [sflag:s6], $0x1000  }
0x93: {  	[sflag:s6] =	ssyncset.done $0x0  }
0x94: {  	[sflag:s6] =	ssyncadd.s32 $0xFFFFF000  }
0x95: {  	_ =	swait.ge [sflag:s6], $0x1000  }
0x96: {  	[sflag:s6] =	ssyncset.done $0x0  }
0x97: {  	[sflag:s6] =	ssyncadd.s32 $0xFFFFF000  }
0x98: {  	_ =	swait.ge [sflag:s6], $0x1000  }
0x99: {  	[sflag:s6] =	ssyncset.done $0x0  }
0x9a: {  	[sflag:s6] =	ssyncadd.s32 $0xFFFFF000  }
0x9b: {  	_ =	swait.ge [sflag:s6], $0x1000  }
0x9c: {  	[sflag:s6] =	ssyncset.done $0x0  }
0x9d: {  	[sflag:s6] =	ssyncadd.s32 $0xFFFFF000  }
0x9e: {  	_ =	swait.ge [sflag:s6], $0x1000  }
0x9f: {  	[sflag:s6] =	ssyncset.done $0x0  }
0xa0: {  	[sflag:s6] =	ssyncadd.s32 $0xFFFFF000  }
0xa1: {  	_ =	swait.ge [sflag:s6], $0x1000  }
0xa2: {  	[sflag:s6] =	ssyncset.done $0x0  }
0xa3: {  	[sflag:s6] =	ssyncadd.s32 $0xFFFFF000  }
0xa4: {  	_ =	swait.ge [sflag:s6], $0x1000  }
0xa5: {  	[sflag:s6] =	ssyncset.done $0x0  }
0xa6: {  	[sflag:s6] =	ssyncadd.s32 $0xFFFFF000  }
0xa7: {  	_ =	swait.ge [sflag:s6], $0x1000  }
0xa8: {  	[sflag:s6] =	ssyncset.done $0x0  }
0xa9: {  	[sflag:s6] =	ssyncadd.s32 $0xFFFFF000  }
0xaa: {  	_ =	swait.ge [sflag:s6], $0x1000  }
0xab: {  	[sflag:s6] =	ssyncset.done $0x0  }
0xac: {  	[sflag:s6] =	ssyncadd.s32 $0xFFFFF000  }
0xad: {  	_ =	swait.ge [sflag:s6], $0x1000  }
0xae: {  	[sflag:s6] =	ssyncset.done $0x0  }
0xaf: {  	[sflag:s6] =	ssyncadd.s32 $0xFFFFF000  }
0xb0: {  	_ =	swait.ge [sflag:s6], $0x1000  }
0xb1: {  	[sflag:s6] =	ssyncset.done $0x0  }
0xb2: {  	[sflag:s6] =	ssyncadd.s32 $0xFFFFF000  }
0xb3: {  	_ =	swait.ge [sflag:s6], $0x1000  }
0xb4: {  	[sflag:s6] =	ssyncset.done $0x0  }
0xb5: {  	s14 =	rddreg [dreg:$0x7];
	[sflag:s6] =	ssyncadd.s32 $0xFFFFF000  }
0xb6: {  	[hbm4b:s14+s2] =	stream.linear.scatter [tilespmem:s5], [sflag:$0x2], $0x19000, $0x38;
	[tilespmem:$0x1EB80] =	vst v63  }
0xb7: {  	_ =	swait.ge [sflag:s4], $0x19000  }
0xb8: {  	s15 =	rddreg [dreg:$0x5]  }
0xb9: {  	[sflag:s4] =	ssyncset.done $0x0;
	s16 =	rddreg [dreg:$0x8]  }
0xba: {  	s17 =	rddreg [dreg:$0x4];
	[sflag:s4] =	ssyncadd.s32 $0xFFFE7000  }
0xbb: {  	[spmem:s16], [sflag:s15] =	dma.local [hbm:s17], $0x9E0  }
0xbc: {  	_ =	swait.ge [sflag:s4], $0x9E0  }
0xbd: {  	[sflag:s4] =	ssyncset.done $0x0  }
0xbe: {  	s18 =	rddreg [dreg:$0x6];
	[sflag:s4] =	ssyncadd.s32 $0xFFFFF620  }
0xbf: {  	[tilespmem:s2], [sflag:$0x2] =	stream.linear.gather [hbm4b:s18+s2], $0xC80, $0x38;
	[tilespmem:$0x1EB80] =	vst v63  }
0xc0: {  	_ =	swait.ge [sflag:s4], $0xC80  }
0xc1: {  	[sflag:s4] =	ssyncset.done $0x0  }
0xc2: {  	[sflag:s4] =	ssyncadd.s32 $0xFFFFF380  }
0xc3: {  	p0 =	sne.s32 s0, $0x1;
	[bflag:$0x0] =	sbarrier.arrive $0xFFFF  }
.Ltmp1:
0xc4: {  	s19 =	rddreg [dreg:$0x9];
	(pc) =	sbr.rel @p0 .LBB2_1-.Ltmp1, $4  }
0xc5: {  	[tilespmem:s5], [sflag:$0x1] =	stream.indirect.gather [spmem:s3], $0x20, s2, s7, $0xb8;
	[tilespmem:$0x1EB80] =	vst v63  }
0xc6: {  	s1 =	rddreg [dreg:$0x1f]  }
0xc7: {  	s0 =	sadd.s32 $0xFFFFFFFF, s0;
	s8 =	rddreg [dreg:$0x1d]  }
0xc8: {  	[tilespmem:s19], [sflag:$0x1] =	stream.indirect.gather [spmem:s3], $0x20, s7, s7, $0xb8;
	[tilespmem:$0x1EB80] =	vst v63  }
.LBB2_2:
0xc9: {  	s0 =	rddreg [dreg:$0xb]  }
0xca: {  	s9 =	rddreg [dreg:$0xa]  }
0xcb: {  	s14 =	rddreg [dreg:$0xd]  }
0xcc: {  	s15 =	rddreg [dreg:$0xc]  }
0xcd: {  	s10 =	rddreg [dreg:$0xf]  }
0xce: {  	s11 =	rddreg [dreg:$0xe]  }
0xcf: {  	s16 =	rddreg [dreg:$0x11]  }
0xd0: {  	s17 =	rddreg [dreg:$0x10]  }
0xd1: {  	s18 =	rddreg [dreg:$0x13]  }
0xd2: {  	s19 =	rddreg [dreg:$0x12]  }
0xd3: {  	s12 =	rddreg [dreg:$0x16]  }
0xd4: {  	[tilespmem:s0], [sflag:$0x1] =	stream.indirect.gather [spmem:s3], $0x20, s9, s7, $0xb8;
	[tilespmem:$0x1EB80] =	vst v63  }
0xd5: {  	s13 =	rddreg [dreg:$0x19]  }
0xd6: {  	[tilespmem:s14], [sflag:$0x1] =	stream.indirect.gather [spmem:s3], $0x20, s15, s7, $0xb8;
	[tilespmem:$0x1EB80] =	vst v63  }
0xd7: {  	s9 =	rddreg [dreg:$0x15]  }
0xd8: {  	[tilespmem:s10], [sflag:$0x1] =	stream.indirect.gather [spmem:s3], $0x20, s11, s7, $0xb8;
	[tilespmem:$0x1EB80] =	vst v63  }
0xd9: {  	s14 =	rddreg [dreg:$0x18]  }
0xda: {  	[tilespmem:s16], [sflag:$0x1] =	stream.indirect.gather [spmem:s3], $0x20, s17, s7, $0xb8;
	[tilespmem:$0x1EB80] =	vst v63  }
0xdb: {  	s15 =	rddreg [dreg:$0x1b]  }
0xdc: {  	[tilespmem:s18], [sflag:$0x1] =	stream.indirect.gather [spmem:s3], $0x20, s19, s7, $0xb8;
	[tilespmem:$0x1EB80] =	vst v63  }
0xdd: {  	s10 =	rddreg [dreg:$0x14]  }
0xde: {  	[tilespmem:s9], [sflag:$0x1] =	stream.indirect.gather [spmem:s3], $0x20, s10, s7, $0xb8;
	[tilespmem:$0x1EB80] =	vst v63  }
0xdf: {  	s11 =	rddreg [dreg:$0x17]  }
0xe0: {  	[tilespmem:s11], [sflag:$0x1] =	stream.indirect.gather [spmem:s3], $0x20, s12, s7, $0xb8;
	[tilespmem:$0x1EB80] =	vst v63  }
0xe1: {  	s16 =	rddreg [dreg:$0x1a]  }
0xe2: {  	[tilespmem:s13], [sflag:$0x1] =	stream.indirect.gather [spmem:s3], $0x20, s14, s7, $0xb8;
	[tilespmem:$0x1EB80] =	vst v63  }
0xe3: {  	s17 =	rddreg [dreg:$0x1c]  }
0xe4: {  	[tilespmem:s15], [sflag:$0x1] =	stream.indirect.gather [spmem:s3], $0x20, s16, s7, $0xb8;
	[tilespmem:$0x1EB80] =	vst v63  }
0xe5: {  	s18 =	rddreg [dreg:$0x1e]  }
0xe6: {  	[tilespmem:s8], [sflag:$0x1] =	stream.indirect.gather [spmem:s3], $0x20, s17, s7, $0xb8;
	[tilespmem:$0x1EB80] =	vst v63  }
0xe7: {  	s19 =	sld [smem:$0x7FD]  }
0xe8: {  	[tilespmem:s1], [sflag:$0x1] =	stream.indirect.gather [spmem:s3], $0x20, s18, s7, $0xb8;
	[tilespmem:$0x1EB80] =	vst v63  }
0xe9: {  	s8 =	simm.s32 $0xDC80  }
0xea: {  	[tilespmem:s8], [sflag:$0x1] =	stream.indirect.gather [spmem:s3], $0x20, s19, s7, $0xb8;
	[tilespmem:$0x1EB80] =	vst v63  }
0xeb: {  	s9 =	simm.s32 $0x700;
	s10 =	simm.s32 $0xEC80  }
0xec: {  	[tilespmem:s10], [sflag:$0x1] =	stream.indirect.gather [spmem:s3], $0x20, s9, s7, $0xb8;
	[tilespmem:$0x1EB80] =	vst v63  }
0xed: {  	s11 =	simm.s32 $0x780;
	s12 =	simm.s32 $0xFC80  }
0xee: {  	[tilespmem:s12], [sflag:$0x1] =	stream.indirect.gather [spmem:s3], $0x20, s11, s7, $0xb8;
	[tilespmem:$0x1EB80] =	vst v63  }
0xef: {  	s13 =	simm.s32 $0x800;
	s14 =	simm.s32 $0x10C80  }
0xf0: {  	[tilespmem:s14], [sflag:$0x1] =	stream.indirect.gather [spmem:s3], $0x20, s13, s7, $0xb8;
	[tilespmem:$0x1EB80] =	vst v63  }
0xf1: {  	s15 =	simm.s32 $0x880;
	s16 =	simm.s32 $0x11C80  }
0xf2: {  	[tilespmem:s16], [sflag:$0x1] =	stream.indirect.gather [spmem:s3], $0x20, s15, s7, $0xb8;
	[tilespmem:$0x1EB80] =	vst v63  }
0xf3: {  	s17 =	simm.s32 $0x900;
	s18 =	simm.s32 $0x12C80  }
0xf4: {  	[tilespmem:s18], [sflag:$0x1] =	stream.indirect.gather [spmem:s3], $0x20, s17, s7, $0xb8;
	[tilespmem:$0x1EB80] =	vst v63  }
0xf5: {  	s19 =	simm.s32 $0x980  }
0xf6: {  	[tilespmem:s20], [sflag:$0x1] =	stream.indirect.gather [spmem:s3], $0x20, s19, s7, $0xb8;
	[tilespmem:$0x1EB80] =	vst v63  }
0xf7: {  	_ = 	snop  }
0xf8: {  	[tilespmem:s22], [sflag:$0x1] =	stream.indirect.gather [spmem:s3], $0x20, s21, s7, $0xb8;
	[tilespmem:$0x1EB80] =	vst v63  }
0xf9: {  	_ = 	snop  }
0xfa: {  	[tilespmem:s24], [sflag:$0x1] =	stream.indirect.gather [spmem:s3], $0x20, s23, s7, $0xb8;
	[tilespmem:$0x1EB80] =	vst v63  }
0xfb: {  	_ = 	snop  }
0xfc: {  	[tilespmem:s26], [sflag:$0x1] =	stream.indirect.gather [spmem:s3], $0x20, s25, s7, $0xb8;
	[tilespmem:$0x1EB80] =	vst v63  }
0xfd: {  	_ = 	snop  }
0xfe: {  	[tilespmem:s29], [sflag:$0x1] =	stream.indirect.gather [spmem:s3], $0x20, s28, s7, $0xb8;
	[tilespmem:$0x1EB80] =	vst v63  }
0xff: {  	_ = 	snop  }
0x100: {  	[tilespmem:s31], [sflag:$0x1] =	stream.indirect.gather [spmem:s3], $0x20, s30, s7, $0xb8;
	[tilespmem:$0x1EB80] =	vst v63  }
0x101: {  	_ =	swait.ge [sflag:s6], $0x1000  }
0x102: {  	[sflag:s6] =	ssyncset.done $0x0  }
0x103: {  	[sflag:s6] =	ssyncadd.s32 $0xFFFFF000  }
0x104: {  	_ =	swait.ge [sflag:s6], $0x1000  }
0x105: {  	[sflag:s6] =	ssyncset.done $0x0  }
0x106: {  	[sflag:s6] =	ssyncadd.s32 $0xFFFFF000  }
0x107: {  	_ =	swait.ge [sflag:s6], $0x1000  }
0x108: {  	[sflag:s6] =	ssyncset.done $0x0  }
0x109: {  	[sflag:s6] =	ssyncadd.s32 $0xFFFFF000  }
0x10a: {  	_ =	swait.ge [sflag:s6], $0x1000  }
0x10b: {  	[sflag:s6] =	ssyncset.done $0x0  }
0x10c: {  	[sflag:s6] =	ssyncadd.s32 $0xFFFFF000  }
0x10d: {  	_ =	swait.ge [sflag:s6], $0x1000  }
0x10e: {  	[sflag:s6] =	ssyncset.done $0x0  }
0x10f: {  	[sflag:s6] =	ssyncadd.s32 $0xFFFFF000  }
0x110: {  	_ =	swait.ge [sflag:s6], $0x1000  }
0x111: {  	[sflag:s6] =	ssyncset.done $0x0  }
0x112: {  	[sflag:s6] =	ssyncadd.s32 $0xFFFFF000  }
0x113: {  	_ =	swait.ge [sflag:s6], $0x1000  }
0x114: {  	[sflag:s6] =	ssyncset.done $0x0  }
0x115: {  	[sflag:s6] =	ssyncadd.s32 $0xFFFFF000  }
0x116: {  	_ =	swait.ge [sflag:s6], $0x1000  }
0x117: {  	[sflag:s6] =	ssyncset.done $0x0  }
0x118: {  	[sflag:s6] =	ssyncadd.s32 $0xFFFFF000  }
0x119: {  	_ =	swait.ge [sflag:s6], $0x1000  }
0x11a: {  	[sflag:s6] =	ssyncset.done $0x0  }
0x11b: {  	[sflag:s6] =	ssyncadd.s32 $0xFFFFF000  }
0x11c: {  	_ =	swait.ge [sflag:s6], $0x1000  }
0x11d: {  	[sflag:s6] =	ssyncset.done $0x0  }
0x11e: {  	[sflag:s6] =	ssyncadd.s32 $0xFFFFF000  }
0x11f: {  	_ =	swait.ge [sflag:s6], $0x1000  }
0x120: {  	[sflag:s6] =	ssyncset.done $0x0  }
0x121: {  	[sflag:s6] =	ssyncadd.s32 $0xFFFFF000  }
0x122: {  	_ =	swait.ge [sflag:s6], $0x1000  }
0x123: {  	[sflag:s6] =	ssyncset.done $0x0  }
0x124: {  	[sflag:s6] =	ssyncadd.s32 $0xFFFFF000  }
0x125: {  	_ =	swait.ge [sflag:s6], $0x1000  }
0x126: {  	[sflag:s6] =	ssyncset.done $0x0  }
0x127: {  	[sflag:s6] =	ssyncadd.s32 $0xFFFFF000  }
0x128: {  	_ =	swait.ge [sflag:s6], $0x1000  }
0x129: {  	[sflag:s6] =	ssyncset.done $0x0  }
0x12a: {  	[sflag:s6] =	ssyncadd.s32 $0xFFFFF000  }
0x12b: {  	_ =	swait.ge [sflag:s6], $0x1000  }
0x12c: {  	[sflag:s6] =	ssyncset.done $0x0  }
0x12d: {  	[sflag:s6] =	ssyncadd.s32 $0xFFFFF000  }
0x12e: {  	_ =	swait.ge [sflag:s6], $0x1000  }
0x12f: {  	[sflag:s6] =	ssyncset.done $0x0  }
0x130: {  	[sflag:s6] =	ssyncadd.s32 $0xFFFFF000  }
0x131: {  	_ =	swait.ge [sflag:s6], $0x1000  }
0x132: {  	[sflag:s6] =	ssyncset.done $0x0  }
0x133: {  	[sflag:s6] =	ssyncadd.s32 $0xFFFFF000  }
0x134: {  	_ =	swait.ge [sflag:s6], $0x1000  }
0x135: {  	[sflag:s6] =	ssyncset.done $0x0  }
0x136: {  	[sflag:s6] =	ssyncadd.s32 $0xFFFFF000  }
0x137: {  	_ =	swait.ge [sflag:s6], $0x1000  }
0x138: {  	[sflag:s6] =	ssyncset.done $0x0  }
0x139: {  	[sflag:s6] =	ssyncadd.s32 $0xFFFFF000  }
0x13a: {  	_ =	swait.ge [sflag:s6], $0x1000  }
0x13b: {  	[sflag:s6] =	ssyncset.done $0x0  }
0x13c: {  	[sflag:s6] =	ssyncadd.s32 $0xFFFFF000  }
0x13d: {  	_ =	swait.ge [sflag:s6], $0x1000  }
0x13e: {  	[sflag:s6] =	ssyncset.done $0x0  }
0x13f: {  	[sflag:s6] =	ssyncadd.s32 $0xFFFFF000  }
0x140: {  	_ =	swait.ge [sflag:s6], $0x1000  }
0x141: {  	[sflag:s6] =	ssyncset.done $0x0  }
0x142: {  	[sflag:s6] =	ssyncadd.s32 $0xFFFFF000  }
0x143: {  	_ =	swait.ge [sflag:s6], $0x1000  }
0x144: {  	[sflag:s6] =	ssyncset.done $0x0  }
0x145: {  	[sflag:s6] =	ssyncadd.s32 $0xFFFFF000  }
0x146: {  	_ =	swait.ge [sflag:s6], $0x1000  }
0x147: {  	[sflag:s6] =	ssyncset.done $0x0  }
0x148: {  	[sflag:s6] =	ssyncadd.s32 $0xFFFFF000  }
0x149: {  	_ =	swait.ge [sflag:s6], $0x1000  }
0x14a: {  	[sflag:s6] =	ssyncset.done $0x0  }
0x14b: {  	s30 =	rddreg [dreg:$0x7];
	[sflag:s6] =	ssyncadd.s32 $0xFFFFF000  }
0x14c: {  	[hbm4b:s30+s2] =	stream.linear.scatter [tilespmem:s5], [sflag:$0x2], $0x19000, $0x38;
	[tilespmem:$0x1EB80] =	vst v63  }
0x14d: {  	_ =	swait.ge [sflag:s4], $0x19000  }
0x14e: {  	[sflag:s4] =	ssyncset.done $0x0  }
0x14f: {  	[sflag:s4] =	ssyncadd.s32 $0xFFFE7000  }
0x150: {  	_ =	sfence.sel $0x180000  }
0x151: {  	[bflag:$0x0] =	sbarrier.arrive $0xFFFF  }
0x152: {  	_ =	strace $0x90000047  }
0x153: {  	s31 =	stileid.u32;
	[bflag:$0x2] =	sbarrier.arrive $0xFFFF  }
0x154: {  	p0 =	sne.s32 s31, $0x0;
	s0 =	rddreg [dreg:$0x3]  }
0x155: {  	s0 =	sadd.s32 @!p0 $0x100000, s0  }
0x156: {  	[sflag:s0] =	ssyncadd.tile.s32 @!p0 $0x1;
	_ =	shalt  }
.Lfunc_end2:
_tile_overlayer_lowered:
.L_overlay_start_2:
0x157: {  	(tag) =	ssettag $0x2  }
0x158: {  	s0 =	rddreg [dreg:$0x0];
	s2 =	stileid.u32  }
0x159: {  	s1 =	rddreg [dreg:$0x1];
	p0 =	sne.s32 s2, $0x0  }
0x15a: {  	s3 =	rddreg [dreg:$0x2];
	[bflag:$0x3] =	sbarrier.arrive $0xFFFF;
	s2 =	simm.s32 @!p0 $0x1C02  }
0x15b: {  	[timem:s3], [sflag:s2] =	dma.local @!p0 [hbm:s0], s1  }
0x15c: {  	s0 =	simm.s32 @!p0 $0x2  }
0x15d: {  	_ =	swait.ge @!p0 [sflag:s0], s1  }
0x15e: {  	s1 =	ssub.s32 @!p0 $0x0, s1;
	[sflag:s0] =	ssyncset.done @!p0 $0x0  }
0x15f: {  	[sflag:s0] =	ssyncadd.s32 @!p0 s1  }
0x160: {  	[bflag:$0x3] =	sbarrier.arrive $0xFFFF  }
0x161: {  	_ =	shalt  }

// kernel: kernel.14.cloned.1.call-start
scs
__scs_entry_jumppad:
0x0: {  	(pc) =	sbr.rel $0x88, $3  }
0x1: {  	(tag) =	ssettag $0x0;
	lr =	simm.s32 $0x1  }
0x2: {  	[smem:$0x3F95] =	sst lr;
	_ =	strace $0xD0000000  }
0x3: {  	_ = 	snop  }
0x4: {  	_ = 	snop  }
0x5: {  	_ = 	snop  }
0x6: {  	_ = 	snop  }
0x7: {  	_ = 	snop  }
__scs_overlays_trampoline_lowered:
0x8: {  	[smem:$0x3FA4] =	sst s0  }
0x9: {  	[smem:$0x3FA5] =	sst s1  }
0xa: {  	[smem:$0x3FA6] =	sst s2  }
0xb: {  	[smem:$0x3FA7] =	sst s3  }
0xc: {  	[smem:$0x3FA8] =	sst s4  }
0xd: {  	[smem:$0x3FA9] =	sst s5  }
0xe: {  	[smem:$0x3FAA] =	sst s6  }
0xf: {  	[smem:$0x3FAB] =	sst s7  }
0x10: {  	[smem:$0x3FAC] =	sst s8  }
0x11: {  	[smem:$0x3FAD] =	sst s9;
	s0 =	simm.s32 @!p0 $0x0  }
0x12: {  	s1 =	sld [smem:$0x3F93];
	s0 =	simm.s32 @p0 $0x1  }
0x13: {  	[smem:$0x3FAE] =	sst s0;
	s0 =	simm.s32 @!p1 $0x0  }
0x14: {  	s2 =	sld [smem:$0x3F92];
	s0 =	simm.s32 @p1 $0x1  }
0x15: {  	[smem:$0x3FAF] =	sst s0;
	s0 =	simm.s32 @!p2 $0x0  }
0x16: {  	s3 =	sld [smem:$0x3FDB];
	s0 =	simm.s32 @p2 $0x1  }
0x17: {  	s4 =	simm.s32 $0x1BF5;
	[smem:$0x3FB1] =	sst s0  }
0x18: {  	s0 =	sld [smem:$0x3F94];
	_ =	swait.ge [sflag:s4], $0x0  }
0x19: {  	s7 =	sld [smem:$0x3F95]  }
0x1a: {  	s8 =	sadd.s32 $0xFFFFE003, lr  }
0x1b: {  	s9 =	sadd.s32 $0xFFFFFEF7, lr;
	s5 =	simm.s32 $0xFFFFFFFF;
	p2 =	slt.u32 s8, $0xFFFFF086  }
0x1c: {  	p1 =	slt.u32 s9, $0xF7A;
	s5 =	simm.s32 @!p2 $0x0  }
0x1d: {  	s5 =	simm.s32 @p1 $0x1;
	p0 =	seq.s32 s7, s2  }
0x1e: {  	s7 =	smul.u32 @!p0 $0xF7A, s2;
	p2 =	seq.s32 @!p0 s5, $0x0  }
0x1f: {  	s9 =	smul.u32 $0xF7A, s1;
	s8 =	simm.s32 @!p0 $0x1BF5;
	p2 =	por !p2, p0  }
0x20: {  	[sflag:s8] =	ssyncset.s32 @!p0 $0xFFFFF086;
	s6 =	sadd.s32 @!p0 s3, s7;
	s7 =	simm.s32 @!p0 $0x108  }
0x21: {  	s3 =	sadd.s32 s3, s9;
	s6 =	sadd.s32 @!p0 $0x88, s6;
	s7 =	simm.s32 @p2 $0x1082  }
0x22: {  	[simem:s7], [sflag:s8] =	dma.local @!p0 [hbm:s6], $0xF7A  }
0x23: {  	s9 =	sor.u32 $0xD0000000, s2;
	s6 =	simm.s32 $0x108;
	_ =	swait.ge @!p0 [sflag:s8], $0x0  }
0x24: {  	s3 =	sadd.s32 $0x88, s3;
	s6 =	simm.s32 @!p1 $0x1082;
	[sflag:s4] =	ssyncset.s32 $0xFFFFF086  }
0x25: {  	[simem:s6], [sflag:s4] =	dma.local [hbm:s3], $0xF7A  }
0x26: {  	[smem:$0x3F95] =	sst s1;
	(tag) =	ssettag s2;
	_ =	strace s9  }
0x27: {  	s1 =	sld [smem:$0x3FA5]  }
0x28: {  	s2 =	sld [smem:$0x3FA6]  }
0x29: {  	s4 =	sld [smem:$0x3FA8]  }
0x2a: {  	p0 =	seq.s32 s5, $0x0;
	s5 =	sld [smem:$0x3FA9]  }
0x2b: {  	s6 =	sld [smem:$0x3FAA]  }
0x2c: {  	s7 =	sld [smem:$0x3FAB]  }
0x2d: {  	s3 =	simm.s32 $0x108;
	s8 =	sld [smem:$0x3FAC]  }
0x2e: {  	s3 =	simm.s32 @!p0 $0x1082;
	s9 =	sld [smem:$0x3FAD]  }
0x2f: {  	lr =	sadd.s32 s0, s3;
	s0 =	sld [smem:$0x3FA4]  }
0x30: {  	s3 =	sld [smem:$0x3FA7]  }
0x31: {  	[smem:$0x3FB0] =	sst s10  }
0x32: {  	s10 =	sld [smem:$0x3FAE];
	_ =	sdelay $0x3  }
0x33: {  	p0 =	seq.s32 s10, $0x1;
	s10 =	sld [smem:$0x3FB0];
	_ =	sdelay $0x3  }
0x34: {  	[smem:$0x3FB0] =	sst s10  }
0x35: {  	s10 =	sld [smem:$0x3FAF];
	_ =	sdelay $0x3  }
0x36: {  	p1 =	seq.s32 s10, $0x1;
	s10 =	sld [smem:$0x3FB0];
	_ =	sdelay $0x3  }
0x37: {  	[smem:$0x3FB0] =	sst s10  }
0x38: {  	s10 =	sld [smem:$0x3FB1]  }
0x39: {  	_ = 	snop;
	(pc) =	sbr.ind lr, $3  }
0x3a: {  	_ = 	snop  }
0x3b: {  	_ = 	snop  }
0x3c: {  	p2 =	seq.s32 s10, $0x1;
	s10 =	sld [smem:$0x3FB0]  }
0x3d: {  	_ =	shalt  }
0x3e: {  	_ =	shalt  }
0x3f: {  	_ =	shalt  }
0x40: {  	_ =	shalt  }
0x41: {  	_ =	shalt  }
0x42: {  	_ =	shalt  }
0x43: {  	_ =	shalt  }
0x44: {  	_ =	shalt  }
0x45: {  	_ =	shalt  }
0x46: {  	_ =	shalt  }
0x47: {  	_ =	shalt  }
0x48: {  	_ =	shalt  }
0x49: {  	_ =	shalt  }
0x4a: {  	_ =	shalt  }
0x4b: {  	_ =	shalt  }
0x4c: {  	_ =	shalt  }
0x4d: {  	_ =	shalt  }
0x4e: {  	_ =	shalt  }
0x4f: {  	_ =	shalt  }
0x50: {  	_ =	shalt  }
0x51: {  	_ =	shalt  }
0x52: {  	_ =	shalt  }
0x53: {  	_ =	shalt  }
0x54: {  	_ =	shalt  }
0x55: {  	_ =	shalt  }
0x56: {  	_ =	shalt  }
0x57: {  	_ =	shalt  }
0x58: {  	_ =	shalt  }
0x59: {  	_ =	shalt  }
0x5a: {  	_ =	shalt  }
0x5b: {  	_ =	shalt  }
0x5c: {  	_ =	shalt  }
0x5d: {  	_ =	shalt  }
0x5e: {  	_ =	shalt  }
0x5f: {  	_ =	shalt  }
0x60: {  	_ =	shalt  }
0x61: {  	_ =	shalt  }
0x62: {  	_ =	shalt  }
0x63: {  	_ =	shalt  }
0x64: {  	_ =	shalt  }
0x65: {  	_ =	shalt  }
0x66: {  	_ =	shalt  }
0x67: {  	_ =	shalt  }
0x68: {  	_ =	shalt  }
0x69: {  	_ =	shalt  }
0x6a: {  	_ =	shalt  }
0x6b: {  	_ =	shalt  }
0x6c: {  	_ =	shalt  }
0x6d: {  	_ =	shalt  }
0x6e: {  	_ =	shalt  }
0x6f: {  	_ =	shalt  }
0x70: {  	_ =	shalt  }
0x71: {  	_ =	shalt  }
0x72: {  	_ =	shalt  }
0x73: {  	_ =	shalt  }
0x74: {  	_ =	shalt  }
0x75: {  	_ =	shalt  }
0x76: {  	_ =	shalt  }
0x77: {  	_ =	shalt  }
0x78: {  	_ =	shalt  }
0x79: {  	_ =	shalt  }
0x7a: {  	_ =	shalt  }
0x7b: {  	_ =	shalt  }
0x7c: {  	_ =	shalt  }
0x7d: {  	_ =	shalt  }
0x7e: {  	_ =	shalt  }
0x7f: {  	_ =	shalt  }
0x80: {  	_ =	shalt  }
0x81: {  	_ =	shalt  }
0x82: {  	_ =	shalt  }
0x83: {  	_ =	shalt  }
0x84: {  	_ =	shalt  }
0x85: {  	_ =	shalt  }
0x86: {  	_ =	shalt  }
0x87: {  	_ =	shalt  }
.Lfunc_end0:
.L_simem_size_0:
called_computation.1_lowered:
.L_overlay_start_0:
0x88: {  	s2 =	sld [smem:$0x3FD9]  }
0x89: {  	s3 =	sld [smem:$0x3FFE];
	_ =	sdelay $0x1  }
0x8a: {  	s1 =	srdreg.scid  }
0x8b: {  	s0 =	sand.u32 $0x1, s1  }
0x8c: {  	s17 =	sshll.u32 s0, $0xA;
	s2 =	sadd.s32 s3, s2  }
0x8d: {  	s2 =	sadd.s32 s2, s17  }
0x8e: {  	[smem:$0x3FBC] =	sst s2  }
0x8f: {  	_ = 	snop  }
0x90: {  	s2 =	sld [smem:$0x3FD0];
	(tm) =	ssettm $0x1  }
0x91: {  	s18 =	sld [smem:$0x3FFB];
	_ =	sdelay $0x3  }
0x92: {  	_ =	strace s18  }
0x93: {  	s3 =	sld [smem:$0x3FFC];
	_ =	sdelay $0x3  }
0x94: {  	_ =	strace s3  }
0x95: {  	s3 =	sld [smem:$0x3FFD];
	_ =	sdelay $0x3  }
0x96: {  	_ =	strace s3  }
0x97: {  	_ =	strace $0x8FFFFFFF  }
0x98: {  	s19 =	sld [smem:$0x3FDB];
	_ =	sdelay $0x1  }
0x99: {  	s4 =	simm.s32 $_scs_section_size  }
0x9a: {  	s5 =	simm.s32 $_size__tile_overlayer_lowered;
	s6 =	simm.s32 $_tile_overlayer_lowered  }
0x9b: {  	s22 =	simm.s32 $0x1BFF;
	s21 =	sshll.u32 s6, $0x1;
	s3 =	sadd.s32 s4, s19  }
0x9c: {  	s7 =	simm.s32 $0x0;
	s20 =	sshll.u32 s5, $0x1;
	s5 =	sadd.s32 s21, s3  }
0x9d: {  	[timem:s7], [sflag:s22] =	dma.local [hbm:s5], s20  }
0x9e: {  	_ =	swait.ge [sflag:s22], s20  }
0x9f: {  	s4 =	ssub.s32 $0x0, s20;
	[sflag:s22] =	ssyncset.done $0x0  }
0xa0: {  	[sflag:s22] =	ssyncadd.s32 s4;
	_ =	sdelay $0x1  }
0xa1: {  	s23 =	simm.s32 $0x1B8B  }
0xa2: {  	_ =	swait.ge [sflag:s23], $0x1  }
0xa3: {  	[sflag:s23] =	ssyncset.done $0x0  }
0xa4: {  	s25 =	simm.s32 $0x1B8E;
	s24 =	sld [smem:$0x3FFE];
	[sflag:s23] =	ssyncadd.s32 $0xFFFFFFFF  }
0xa5: {  	s26 =	simm.s32 $execute0_lowered;
	[smem:$0x3FD2] =	sst s25  }
0xa6: {  	s5 =	sshll.u32 s26, $0x1;
	_ =	strace $0x80000049;
	[dreg:$0x1] =	wrdreg $0xFFFFFFFF  }
0xa7: {  	s28 =	simm.s32 $_size_execute0_lowered;
	s3 =	sadd.s32 s3, s5;
	[dreg:$0x0] =	wrdreg $0x0  }
0xa8: {  	s5 =	sshll.u32 s28, $0x1;
	[dreg:$0x2] =	wrdreg s3  }
0xa9: {  	[dreg:$0x3] =	wrdreg s5  }
0xaa: {  	[dreg:$0x4] =	wrdreg $0xC0  }
0xab: {  	_ =	task [dreg:s7], $0x5FFFF  }
0xac: {  	[dreg:$0x1] =	wrdreg $0xFFFFFFFF  }
0xad: {  	[dreg:$0x0] =	wrdreg $0x60  }
0xae: {  	[dreg:$0x2] =	wrdreg s24  }
0xaf: {  	[dreg:$0x3] =	wrdreg s2  }
0xb0: {  	[dreg:$0x4] =	wrdreg $0x19C800  }
0xb1: {  	[dreg:$0x5] =	wrdreg $0x9  }
0xb2: {  	_ =	task.clear_ibuf [dreg:s7], $0x6FFFF;
	_ =	strace $0x90000049  }
0xb3: {  	s29 =	simm.s32 $0x9;
	_ =	strace $0x8000004B  }
0xb4: {  	_ =	swait.ge [sflag:s29], $0x1  }
0xb5: {  	[sflag:s29] =	ssyncadd.s32 $0xFFFFFFFF  }
0xb6: {  	_ =	strace $0x9000004B  }
0xb7: {  	_ =	sfence  }
0xb8: {  	s30 =	sld [smem:$0x0];
	_ =	sdelay $0x2  }
0xb9: {  	s31 =	sshll.u32 s1, $0xD;
	s1 =	sshrl.u32 s1, $0x2  }
0xba: {  	s3 =	sand.u32 $0x4000, s31;
	s1 =	sadd.s32 s1, s30  }
0xbb: {  	s0 =	sor.u32 s3, s0;
	s1 =	sshll.u32 s1, $0x11  }
0xbc: {  	s0 =	sor.u32 s1, s0  }
0xbd: {  	s0 =	sadd.s32 $0x8F2B, s0  }
0xbe: {  	[sflag:s0] =	ssyncadd.remote.s32 $0x1  }
0xbf: {  	_ =	sfence.sel $0xFFFF  }
0xc0: {  	[dreg:$0x0] =	wrdreg $0xFFFFFFFF;
	(pc) =	sbr.abs _section_cstart, $3  }
0xc1: {  	[dreg:$0x1] =	wrdreg $0xFFFFFFFF  }
0xc2: {  	_ =	task.clear_ibuf [dreg:s7], $0x2FFFF;
	_ =	strace $0x9FFFFFFF  }
0xc3: {  	(tm) =	ssettm $0x7FFFFFFF  }
tec
execute0_lowered:
.L_overlay_start_1:
0x0: {  	(tag) =	ssettag $0x1  }
0x1: {  	s5 =	rddreg [dreg:$0x0]  }
0x2: {  	s6 =	rddreg [dreg:$0x1]  }
0x3: {  	s0 =	srdreg.scid;
	s2 =	rddreg [dreg:$0x2]  }
0x4: {  	s3 =	simm.s32 $0x0;
	s4 =	sand.u32 $0x1, s0;
	s0 =	stileid.u32  }
0x5: {  	s13 =	simm.s32 $0x0;
	[smem:$0x7FF] =	sst s3;
	s9 =	smul.u32 $0x4F00, s0  }
0x6: {  	s1 =	sshll.u32 s4, $0x4;
	s10 =	smul.u32 $0x4F000, s4;
	s4 =	ssub.s32 $0x2, s4  }
0x7: {  	s31 =	sshll.u32 s0, $0x6;
	s7 =	sor.u32 s0, s1;
	s1 =	rddreg [dreg:$0x3]  }
0x8: {  	_ =	strace $0x8000004A;
	s11 =	sshrl.u32 s4, $0x1;
	s8 =	smul.u32 $0x3200, s7  }
0x9: {  	s7 =	smul.u32 $0x190, s7;
	s10 =	sadd.s32 s9, s10;
	s11 =	ssub.s32 s4, s11  }
0xa: {  	s30 =	sshrl.u32 s9, $0x3;
	s12 =	sadd.s32 s9, s2;
	s10 =	sshrl.u32 s10, $0x3  }
0xb: {  	s4 =	sadd.s32 s6, s30;
	s9 =	smax.u32 s11, $0x1;
	s11 =	simm.s32 $0x1  }
0xc: {  	s8 =	sadd.s32 s8, s5;
	s7 =	sadd.s32 s7, s5;
	s10 =	sadd.s32 s10, s5  }
0xd: {  	s5 =	sor.u32 $0x1C01, s31;
	s6 =	sadd.s32 $0x2DA00, s7;
	s7 =	sadd.s32 $0x30C00, s8  }
0xe: {  	s8 =	sadd.s32 $0x94C00, s10;
	s10 =	sshrl.u32 s12, $0x3;
	s12 =	simm.s32 $0x80  }
.LBB2_1:
0xf: {  	[spmem:s10], [sflag:s5] =	dma.local [hbm:s4], $0x9E0  }
0x10: {  	_ =	swait.ge [sflag:s11], $0x9E0  }
0x11: {  	[sflag:s11] =	ssyncset.done $0x0  }
0x12: {  	[sflag:s11] =	ssyncadd.s32 $0xFFFFF620  }
0x13: {  	[bflag:$0x0] =	sbarrier.arrive $0xFFFF  }
0x14: {  	[tilespmem:s3], [sflag:$0x1] =	stream.linear.gather [hbm4b:s6+s3], $0xC80, $0x38;
	[tilespmem:$0x1EB80] =	vst v63  }
0x15: {  	_ =	swait.ge [sflag:s11], $0xC80  }
0x16: {  	[sflag:s11] =	ssyncset.done $0x0  }
0x17: {  	s14 =	simm.s32 $0xC80;
	[sflag:s11] =	ssyncadd.s32 $0xFFFFF380  }
0x18: {  	[tilespmem:s14], [sflag:$0x1] =	stream.linear.gather [hbm4b:s7+s3], $0x19000, $0x38;
	[tilespmem:$0x1EB80] =	vst v63  }
0x19: {  	_ =	swait.ge [sflag:s11], $0x19000  }
0x1a: {  	[sflag:s11] =	ssyncset.done $0x0  }
0x1b: {  	s15 =	simm.s32 $0x0;
	[sflag:s11] =	ssyncadd.s32 $0xFFFE7000  }
0x1c: {  	[spmem:s2] =	stream.indirect.scatter.add.f32 [tilespmem:s14], [sflag:$0x1], $0x20, s15, s12, $0xb8;
	[tilespmem:$0x1EB80] =	vst v63  }
0x1d: {  	_ =	swait.ge [sflag:s11], $0x1000  }
0x1e: {  	s15 =	simm.s32 $0x200;
	[sflag:s11] =	ssyncset.done $0x0  }
.LBB2_2:
0x1f: {  	s16 =	sshra.s32 s15, $0x2  }
0x20: {  	[sflag:s11] =	ssyncadd.s32 $0xFFFFF000;
	s14 =	sadd.s32 $0x1000, s14;
	p0 =	sne.s32 s15, $0x3000  }
0x21: {  	[spmem:s2] =	stream.indirect.scatter.add.f32 [tilespmem:s14], [sflag:$0x1], $0x20, s16, s12, $0xb8;
	[tilespmem:$0x1EB80] =	vst v63  }
.Ltmp0:
0x22: {  	_ = 	snop;
	(pc) =	sbr.rel @p0 .LBB2_2-.Ltmp0, $4  }
0x23: {  	_ = 	snop  }
0x24: {  	s15 =	sadd.s32 $0x200, s15  }
0x25: {  	_ =	swait.ge [sflag:s11], $0x1000  }
0x26: {  	[sflag:s11] =	ssyncset.done $0x0  }
0x27: {  	s13 =	sadd.s32 $0x1, s13  }
0x28: {  	[sflag:s11] =	ssyncadd.s32 $0xFFFFF000;
	p0 =	sne.s32 s13, s9  }
.Ltmp1:
0x29: {  	[bflag:$0x0] =	sbarrier.arrive $0xFFFF;
	(pc) =	sbr.rel @p0 .LBB2_1-.Ltmp1, $4  }
0x2a: {  	[hbm:s8], [sflag:s5] =	dma.local [spmem:s10], $0x9E0  }
0x2b: {  	_ =	swait.ge [sflag:s11], $0x9E0  }
0x2c: {  	[sflag:s11] =	ssyncset.done $0x0  }
0x2d: {  	[sflag:s11] =	ssyncadd.s32 $0xFFFFF620  }
0x2e: {  	_ =	sfence.sel $0x180000  }
0x2f: {  	[bflag:$0x0] =	sbarrier.arrive $0xFFFF  }
0x30: {  	p0 =	sne.s32 s0, $0x0;
	_ =	strace $0x9000004A  }
0x31: {  	s0 =	sadd.s32 @!p0 $0x100000, s1;
	[bflag:$0x2] =	sbarrier.arrive $0xFFFF  }
0x32: {  	[sflag:s0] =	ssyncadd.tile.s32 @!p0 $0x1;
	_ =	shalt  }
.Lfunc_end2:
_tile_overlayer_lowered:
.L_overlay_start_2:
0x33: {  	(tag) =	ssettag $0x2  }
0x34: {  	s0 =	rddreg [dreg:$0x0];
	s2 =	stileid.u32  }
0x35: {  	s1 =	rddreg [dreg:$0x1];
	p0 =	sne.s32 s2, $0x0  }
0x36: {  	s3 =	rddreg [dreg:$0x2];
	[bflag:$0x3] =	sbarrier.arrive $0xFFFF;
	s2 =	simm.s32 @!p0 $0x1C01  }
0x37: {  	[timem:s3], [sflag:s2] =	dma.local @!p0 [hbm:s0], s1  }
0x38: {  	s0 =	simm.s32 @!p0 $0x1  }
0x39: {  	_ =	swait.ge @!p0 [sflag:s0], s1  }
0x3a: {  	s1 =	ssub.s32 @!p0 $0x0, s1;
	[sflag:s0] =	ssyncset.done @!p0 $0x0  }
0x3b: {  	[sflag:s0] =	ssyncadd.s32 @!p0 s1  }
0x3c: {  	[bflag:$0x3] =	sbarrier.arrive $0xFFFF  }
0x3d: {  	_ =	shalt  }

// kernel: kernel.17.cloned.1.call-start
scs
__scs_entry_jumppad:
0x0: {  	(pc) =	sbr.rel $0x88, $3  }
0x1: {  	(tag) =	ssettag $0x0;
	lr =	simm.s32 $0x1  }
0x2: {  	[smem:$0x3F95] =	sst lr;
	_ =	strace $0xD0000000  }
0x3: {  	_ = 	snop  }
0x4: {  	_ = 	snop  }
0x5: {  	_ = 	snop  }
0x6: {  	_ = 	snop  }
0x7: {  	_ = 	snop  }
__scs_overlays_trampoline_lowered:
0x8: {  	[smem:$0x3FA4] =	sst s0  }
0x9: {  	[smem:$0x3FA5] =	sst s1  }
0xa: {  	[smem:$0x3FA6] =	sst s2  }
0xb: {  	[smem:$0x3FA7] =	sst s3  }
0xc: {  	[smem:$0x3FA8] =	sst s4  }
0xd: {  	[smem:$0x3FA9] =	sst s5  }
0xe: {  	[smem:$0x3FAA] =	sst s6  }
0xf: {  	[smem:$0x3FAB] =	sst s7  }
0x10: {  	[smem:$0x3FAC] =	sst s8  }
0x11: {  	[smem:$0x3FAD] =	sst s9;
	s0 =	simm.s32 @!p0 $0x0  }
0x12: {  	s1 =	sld [smem:$0x3F93];
	s0 =	simm.s32 @p0 $0x1  }
0x13: {  	[smem:$0x3FAE] =	sst s0;
	s0 =	simm.s32 @!p1 $0x0  }
0x14: {  	s2 =	sld [smem:$0x3F92];
	s0 =	simm.s32 @p1 $0x1  }
0x15: {  	[smem:$0x3FAF] =	sst s0;
	s0 =	simm.s32 @!p2 $0x0  }
0x16: {  	s3 =	sld [smem:$0x3FDB];
	s0 =	simm.s32 @p2 $0x1  }
0x17: {  	s4 =	simm.s32 $0x1BF5;
	[smem:$0x3FB1] =	sst s0  }
0x18: {  	s0 =	sld [smem:$0x3F94];
	_ =	swait.ge [sflag:s4], $0x0  }
0x19: {  	s7 =	sld [smem:$0x3F95]  }
0x1a: {  	s8 =	sadd.s32 $0xFFFFE003, lr  }
0x1b: {  	s9 =	sadd.s32 $0xFFFFFEF7, lr;
	s5 =	simm.s32 $0xFFFFFFFF;
	p2 =	slt.u32 s8, $0xFFFFF086  }
0x1c: {  	p1 =	slt.u32 s9, $0xF7A;
	s5 =	simm.s32 @!p2 $0x0  }
0x1d: {  	s5 =	simm.s32 @p1 $0x1;
	p0 =	seq.s32 s7, s2  }
0x1e: {  	s7 =	smul.u32 @!p0 $0xF7A, s2;
	p2 =	seq.s32 @!p0 s5, $0x0  }
0x1f: {  	s9 =	smul.u32 $0xF7A, s1;
	s8 =	simm.s32 @!p0 $0x1BF5;
	p2 =	por !p2, p0  }
0x20: {  	[sflag:s8] =	ssyncset.s32 @!p0 $0xFFFFF086;
	s6 =	sadd.s32 @!p0 s3, s7;
	s7 =	simm.s32 @!p0 $0x108  }
0x21: {  	s3 =	sadd.s32 s3, s9;
	s6 =	sadd.s32 @!p0 $0x88, s6;
	s7 =	simm.s32 @p2 $0x1082  }
0x22: {  	[simem:s7], [sflag:s8] =	dma.local @!p0 [hbm:s6], $0xF7A  }
0x23: {  	s9 =	sor.u32 $0xD0000000, s2;
	s6 =	simm.s32 $0x108;
	_ =	swait.ge @!p0 [sflag:s8], $0x0  }
0x24: {  	s3 =	sadd.s32 $0x88, s3;
	s6 =	simm.s32 @!p1 $0x1082;
	[sflag:s4] =	ssyncset.s32 $0xFFFFF086  }
0x25: {  	[simem:s6], [sflag:s4] =	dma.local [hbm:s3], $0xF7A  }
0x26: {  	[smem:$0x3F95] =	sst s1;
	(tag) =	ssettag s2;
	_ =	strace s9  }
0x27: {  	s1 =	sld [smem:$0x3FA5]  }
0x28: {  	s2 =	sld [smem:$0x3FA6]  }
0x29: {  	s4 =	sld [smem:$0x3FA8]  }
0x2a: {  	p0 =	seq.s32 s5, $0x0;
	s5 =	sld [smem:$0x3FA9]  }
0x2b: {  	s6 =	sld [smem:$0x3FAA]  }
0x2c: {  	s7 =	sld [smem:$0x3FAB]  }
0x2d: {  	s3 =	simm.s32 $0x108;
	s8 =	sld [smem:$0x3FAC]  }
0x2e: {  	s3 =	simm.s32 @!p0 $0x1082;
	s9 =	sld [smem:$0x3FAD]  }
0x2f: {  	lr =	sadd.s32 s0, s3;
	s0 =	sld [smem:$0x3FA4]  }
0x30: {  	s3 =	sld [smem:$0x3FA7]  }
0x31: {  	[smem:$0x3FB0] =	sst s10  }
0x32: {  	s10 =	sld [smem:$0x3FAE];
	_ =	sdelay $0x3  }
0x33: {  	p0 =	seq.s32 s10, $0x1;
	s10 =	sld [smem:$0x3FB0];
	_ =	sdelay $0x3  }
0x34: {  	[smem:$0x3FB0] =	sst s10  }
0x35: {  	s10 =	sld [smem:$0x3FAF];
	_ =	sdelay $0x3  }
0x36: {  	p1 =	seq.s32 s10, $0x1;
	s10 =	sld [smem:$0x3FB0];
	_ =	sdelay $0x3  }
0x37: {  	[smem:$0x3FB0] =	sst s10  }
0x38: {  	s10 =	sld [smem:$0x3FB1]  }
0x39: {  	_ = 	snop;
	(pc) =	sbr.ind lr, $3  }
0x3a: {  	_ = 	snop  }
0x3b: {  	_ = 	snop  }
0x3c: {  	p2 =	seq.s32 s10, $0x1;
	s10 =	sld [smem:$0x3FB0]  }
0x3d: {  	_ =	shalt  }
0x3e: {  	_ =	shalt  }
0x3f: {  	_ =	shalt  }
0x40: {  	_ =	shalt  }
0x41: {  	_ =	shalt  }
0x42: {  	_ =	shalt  }
0x43: {  	_ =	shalt  }
0x44: {  	_ =	shalt  }
0x45: {  	_ =	shalt  }
0x46: {  	_ =	shalt  }
0x47: {  	_ =	shalt  }
0x48: {  	_ =	shalt  }
0x49: {  	_ =	shalt  }
0x4a: {  	_ =	shalt  }
0x4b: {  	_ =	shalt  }
0x4c: {  	_ =	shalt  }
0x4d: {  	_ =	shalt  }
0x4e: {  	_ =	shalt  }
0x4f: {  	_ =	shalt  }
0x50: {  	_ =	shalt  }
0x51: {  	_ =	shalt  }
0x52: {  	_ =	shalt  }
0x53: {  	_ =	shalt  }
0x54: {  	_ =	shalt  }
0x55: {  	_ =	shalt  }
0x56: {  	_ =	shalt  }
0x57: {  	_ =	shalt  }
0x58: {  	_ =	shalt  }
0x59: {  	_ =	shalt  }
0x5a: {  	_ =	shalt  }
0x5b: {  	_ =	shalt  }
0x5c: {  	_ =	shalt  }
0x5d: {  	_ =	shalt  }
0x5e: {  	_ =	shalt  }
0x5f: {  	_ =	shalt  }
0x60: {  	_ =	shalt  }
0x61: {  	_ =	shalt  }
0x62: {  	_ =	shalt  }
0x63: {  	_ =	shalt  }
0x64: {  	_ =	shalt  }
0x65: {  	_ =	shalt  }
0x66: {  	_ =	shalt  }
0x67: {  	_ =	shalt  }
0x68: {  	_ =	shalt  }
0x69: {  	_ =	shalt  }
0x6a: {  	_ =	shalt  }
0x6b: {  	_ =	shalt  }
0x6c: {  	_ =	shalt  }
0x6d: {  	_ =	shalt  }
0x6e: {  	_ =	shalt  }
0x6f: {  	_ =	shalt  }
0x70: {  	_ =	shalt  }
0x71: {  	_ =	shalt  }
0x72: {  	_ =	shalt  }
0x73: {  	_ =	shalt  }
0x74: {  	_ =	shalt  }
0x75: {  	_ =	shalt  }
0x76: {  	_ =	shalt  }
0x77: {  	_ =	shalt  }
0x78: {  	_ =	shalt  }
0x79: {  	_ =	shalt  }
0x7a: {  	_ =	shalt  }
0x7b: {  	_ =	shalt  }
0x7c: {  	_ =	shalt  }
0x7d: {  	_ =	shalt  }
0x7e: {  	_ =	shalt  }
0x7f: {  	_ =	shalt  }
0x80: {  	_ =	shalt  }
0x81: {  	_ =	shalt  }
0x82: {  	_ =	shalt  }
0x83: {  	_ =	shalt  }
0x84: {  	_ =	shalt  }
0x85: {  	_ =	shalt  }
0x86: {  	_ =	shalt  }
0x87: {  	_ =	shalt  }
.Lfunc_end0:
.L_simem_size_0:
called_computation.2_lowered:
.L_overlay_start_0:
0x88: {  	s2 =	sld [smem:$0x3FD9]  }
0x89: {  	s3 =	sld [smem:$0x3FFE];
	_ =	sdelay $0x1  }
0x8a: {  	s1 =	srdreg.scid  }
0x8b: {  	s0 =	sand.u32 $0x1, s1  }
0x8c: {  	s16 =	sshll.u32 s0, $0xA;
	s2 =	sadd.s32 s3, s2  }
0x8d: {  	s2 =	sadd.s32 s2, s16  }
0x8e: {  	[smem:$0x3FBC] =	sst s2  }
0x8f: {  	_ = 	snop  }
0x90: {  	(tm) =	ssettm $0x1  }
0x91: {  	s17 =	sld [smem:$0x3FFB];
	_ =	sdelay $0x3  }
0x92: {  	_ =	strace s17  }
0x93: {  	s2 =	sld [smem:$0x3FFC];
	_ =	sdelay $0x3  }
0x94: {  	_ =	strace s2  }
0x95: {  	s2 =	sld [smem:$0x3FFD];
	_ =	sdelay $0x3  }
0x96: {  	_ =	strace s2  }
0x97: {  	_ =	strace $0x8FFFFFFF  }
0x98: {  	s18 =	sld [smem:$0x3FDB];
	_ =	sdelay $0x1  }
0x99: {  	s19 =	simm.s32 $_scs_section_size  }
0x9a: {  	s4 =	simm.s32 $_size__tile_overlayer_lowered;
	s5 =	simm.s32 $_tile_overlayer_lowered  }
0x9b: {  	s22 =	simm.s32 $0x1BFF;
	s21 =	sshll.u32 s5, $0x1;
	s2 =	sadd.s32 s19, s18  }
0x9c: {  	s6 =	simm.s32 $0x0;
	s20 =	sshll.u32 s4, $0x1;
	s4 =	sadd.s32 s21, s2  }
0x9d: {  	[timem:s6], [sflag:s22] =	dma.local [hbm:s4], s20  }
0x9e: {  	_ =	swait.ge [sflag:s22], s20  }
0x9f: {  	s3 =	ssub.s32 $0x0, s20;
	[sflag:s22] =	ssyncset.done $0x0  }
0xa0: {  	[sflag:s22] =	ssyncadd.s32 s3;
	_ =	sdelay $0x1  }
0xa1: {  	s23 =	simm.s32 $0x1B8B  }
0xa2: {  	_ =	swait.ge [sflag:s23], $0x1  }
0xa3: {  	[sflag:s23] =	ssyncset.done $0x0  }
0xa4: {  	s25 =	simm.s32 $0x1B8E;
	s24 =	sld [smem:$0x3FFE];
	[sflag:s23] =	ssyncadd.s32 $0xFFFFFFFF  }
0xa5: {  	s26 =	simm.s32 $execute0_lowered;
	[smem:$0x3FD2] =	sst s25  }
0xa6: {  	s4 =	sshll.u32 s26, $0x1;
	_ =	strace $0x8000004C;
	[dreg:$0x1] =	wrdreg $0xFFFFFFFF  }
0xa7: {  	s28 =	simm.s32 $_size_execute0_lowered;
	s2 =	sadd.s32 s2, s4;
	[dreg:$0x0] =	wrdreg $0x0  }
0xa8: {  	s4 =	sshll.u32 s28, $0x1;
	[dreg:$0x2] =	wrdreg s2  }
0xa9: {  	[dreg:$0x3] =	wrdreg s4  }
0xaa: {  	[dreg:$0x4] =	wrdreg $0xC0  }
0xab: {  	_ =	task [dreg:s6], $0x5FFFF  }
0xac: {  	[dreg:$0x1] =	wrdreg $0xFFFFFFFF  }
0xad: {  	[dreg:$0x0] =	wrdreg $0x60  }
0xae: {  	[dreg:$0x2] =	wrdreg s24  }
0xaf: {  	[dreg:$0x3] =	wrdreg $0x19C800  }
0xb0: {  	[dreg:$0x4] =	wrdreg $0x9  }
0xb1: {  	_ =	task.clear_ibuf [dreg:s6], $0x5FFFF;
	_ =	strace $0x9000004C  }
0xb2: {  	s29 =	simm.s32 $0x9;
	_ =	strace $0x8000004E  }
0xb3: {  	_ =	swait.ge [sflag:s29], $0x1  }
0xb4: {  	[sflag:s29] =	ssyncadd.s32 $0xFFFFFFFF  }
0xb5: {  	_ =	strace $0x9000004E  }
0xb6: {  	_ =	sfence  }
0xb7: {  	s30 =	sld [smem:$0x0];
	_ =	sdelay $0x2  }
0xb8: {  	s31 =	sshll.u32 s1, $0xD;
	s1 =	sshrl.u32 s1, $0x2  }
0xb9: {  	s3 =	sand.u32 $0x4000, s31;
	s1 =	sadd.s32 s1, s30  }
0xba: {  	s0 =	sor.u32 s3, s0;
	s1 =	sshll.u32 s1, $0x11  }
0xbb: {  	s0 =	sor.u32 s1, s0  }
0xbc: {  	s0 =	sadd.s32 $0x8F2B, s0  }
0xbd: {  	[sflag:s0] =	ssyncadd.remote.s32 $0x1  }
0xbe: {  	_ =	sfence.sel $0xFFFF  }
0xbf: {  	[dreg:$0x0] =	wrdreg $0xFFFFFFFF;
	(pc) =	sbr.abs _section_cstart, $3  }
0xc0: {  	[dreg:$0x1] =	wrdreg $0xFFFFFFFF  }
0xc1: {  	_ =	task.clear_ibuf [dreg:s6], $0x2FFFF;
	_ =	strace $0x9FFFFFFF  }
0xc2: {  	(tm) =	ssettm $0x7FFFFFFF  }
0xc3: {  	_ =	shalt  }
tec
execute0_lowered:
.L_overlay_start_1:
0x0: {  	(tag) =	ssettag $0x1  }
0x1: {  	s1 =	rddreg [dreg:$0x0]  }
0x2: {  	s3 =	rddreg [dreg:$0x1];
	s2 =	simm.s32 $0x0  }
0x3: {  	s20 =	simm.s32 $0x1C80;
	[smem:$0x7FF] =	sst s2  }
0x4: {  	s21 =	simm.s32 $0x100;
	_ =	strace $0x8000004D;
	[dreg:$0x8] =	wrdreg s20  }
0x5: {  	s22 =	simm.s32 $0x2C80;
	[dreg:$0x9] =	wrdreg s21  }
0x6: {  	s23 =	simm.s32 $0x180;
	[dreg:$0xa] =	wrdreg s22  }
0x7: {  	s24 =	simm.s32 $0x3C80;
	[dreg:$0xb] =	wrdreg s23  }
0x8: {  	s25 =	simm.s32 $0x200;
	[dreg:$0xc] =	wrdreg s24  }
0x9: {  	s26 =	simm.s32 $0x4C80;
	[dreg:$0xd] =	wrdreg s25  }
0xa: {  	s9 =	simm.s32 $0x7C80;
	[dreg:$0xe] =	wrdreg s26  }
0xb: {  	s10 =	simm.s32 $0x400;
	[dreg:$0x14] =	wrdreg s9  }
0xc: {  	s11 =	simm.s32 $0x8C80;
	[dreg:$0x15] =	wrdreg s10  }
0xd: {  	s12 =	simm.s32 $0x480;
	[dreg:$0x16] =	wrdreg s11  }
0xe: {  	s8 =	stileid.u32;
	s13 =	simm.s32 $0x9C80;
	[dreg:$0x17] =	wrdreg s12  }
0xf: {  	s14 =	simm.s32 $0x500;
	s15 =	simm.s32 $0xAC80;
	[dreg:$0x18] =	wrdreg s13  }
0x10: {  	s16 =	simm.s32 $0x580;
	s4 =	smul.u32 $0x4F00, s8;
	[dreg:$0x19] =	wrdreg s14  }
0x11: {  	s5 =	sshll.u32 s8, $0x1;
	s8 =	sshll.u32 s8, $0x6;
	[dreg:$0x1a] =	wrdreg s15  }
0x12: {  	s17 =	sor.u32 $0x1C02, s8;
	[dreg:$0x1b] =	wrdreg s16  }
0x13: {  	s0 =	srdreg.scid;
	s8 =	simm.s32 $0x380;
	[dreg:$0x4] =	wrdreg s17  }
0x14: {  	s0 =	sand.u32 $0x1, s0;
	s21 =	simm.s32 $0xCC80;
	[dreg:$0x13] =	wrdreg s8  }
0x15: {  	s23 =	simm.s32 $0x680;
	s6 =	sshrl.u32 s4, $0x3;
	[dreg:$0x1e] =	wrdreg s21  }
0x16: {  	s4 =	sadd.s32 s4, s3;
	s17 =	simm.s32 $0xBC80;
	[dreg:$0x1f] =	wrdreg s23  }
0x17: {  	s5 =	sor.u32 s0, s5;
	s19 =	sshrl.u32 s4, $0x3;
	[dreg:$0x1c] =	wrdreg s17  }
0x18: {  	s7 =	smul.u32 $0x190, s5;
	s4 =	simm.s32 $0x280;
	[dreg:$0x7] =	wrdreg s19  }
0x19: {  	s5 =	smul.u32 $0x3200, s5;
	s6 =	sadd.s32 s6, s1;
	[dreg:$0xf] =	wrdreg s4  }
0x1a: {  	s6 =	sadd.s32 $0x30C00, s6;
	s7 =	sadd.s32 s7, s1;
	s19 =	rddreg [dreg:$0x4]  }
0x1b: {  	s1 =	sadd.s32 s5, s1;
	s5 =	simm.s32 $0x5C80;
	[dreg:$0x3] =	wrdreg s6  }
0x1c: {  	[dreg:$0x10] =	wrdreg s5  }
0x1d: {  	s18 =	sadd.s32 $0x2A800, s7;
	s20 =	rddreg [dreg:$0x7]  }
0x1e: {  	s1 =	sadd.s32 $0x3AA00, s1;
	[dreg:$0x5] =	wrdreg s18  }
0x1f: {  	s6 =	simm.s32 $0x300;
	[dreg:$0x6] =	wrdreg s1  }
0x20: {  	s7 =	simm.s32 $0x6C80;
	[dreg:$0x11] =	wrdreg s6  }
0x21: {  	[dreg:$0x12] =	wrdreg s7  }
0x22: {  	s28 =	simm.s32 $0xB80;
	s18 =	simm.s32 $0x600;
	s22 =	rddreg [dreg:$0x3]  }
0x23: {  	s29 =	simm.s32 $0x17C80;
	s4 =	simm.s32 $0x2;
	[dreg:$0x1d] =	wrdreg s18  }
0x24: {  	[spmem:s20], [sflag:s19] =	dma.local [hbm:s22], $0x9E0  }
0x25: {  	s30 =	simm.s32 $0xC00;
	s0 =	ssub.s32 $0x2, s0;
	_ =	swait.ge [sflag:s4], $0x9E0  }
0x26: {  	s31 =	simm.s32 $0x18C80;
	s24 =	sshrl.u32 s0, $0x1;
	[sflag:s4] =	ssyncset.done $0x0  }
0x27: {  	s21 =	simm.s32 $0xA00;
	s25 =	rddreg [dreg:$0x5];
	[sflag:s4] =	ssyncadd.s32 $0xFFFFF620  }
0x28: {  	[tilespmem:s2], [sflag:$0x2] =	stream.linear.gather [hbm4b:s25+s2], $0xC80, $0x38;
	[tilespmem:$0x1EB80] =	vst v63  }
0x29: {  	s23 =	simm.s32 $0xA80;
	s0 =	ssub.s32 s0, s24;
	_ =	swait.ge [sflag:s4], $0xC80  }
0x2a: {  	s24 =	simm.s32 $0x15C80;
	s0 =	smax.u32 s0, $0x1;
	[sflag:s4] =	ssyncset.done $0x0  }
0x2b: {  	s5 =	simm.s32 $0xC80;
	p0 =	sne.s32 s0, $0x1;
	[sflag:s4] =	ssyncadd.s32 $0xFFFFF380  }
0x2c: {  	s0 =	sadd.s32 $0xFFFFFFFF, s0;
	s7 =	simm.s32 $0x80;
	[bflag:$0x0] =	sbarrier.arrive $0xFFFF  }
.Ltmp0:
0x2d: {  	s6 =	simm.s32 $0x1;
	s26 =	rddreg [dreg:$0x8];
	(pc) =	sbr.rel @!p0 .LBB2_2-.Ltmp0, $4  }
0x2e: {  	[tilespmem:s5], [sflag:$0x1] =	stream.indirect.gather [spmem:s3], $0x20, s2, s7, $0xb8;
	[tilespmem:$0x1EB80] =	vst v63  }
0x2f: {  	s20 =	simm.s32 $0x13C80;
	s22 =	simm.s32 $0x14C80;
	s1 =	rddreg [dreg:$0x1e]  }
0x30: {  	[tilespmem:s26], [sflag:$0x1] =	stream.indirect.gather [spmem:s3], $0x20, s7, s7, $0xb8;
	[tilespmem:$0x1EB80] =	vst v63  }
0x31: {  	s25 =	simm.s32 $0xB00;
	s8 =	rddreg [dreg:$0x1c];
	s26 =	simm.s32 $0x16C80  }
.LBB2_1:
0x32: {  	s9 =	rddreg [dreg:$0x1a]  }
0x33: {  	s10 =	rddreg [dreg:$0x18]  }
0x34: {  	s11 =	rddreg [dreg:$0x16]  }
0x35: {  	s12 =	rddreg [dreg:$0x14]  }
0x36: {  	s13 =	rddreg [dreg:$0x12]  }
0x37: {  	s14 =	rddreg [dreg:$0x10]  }
0x38: {  	s15 =	rddreg [dreg:$0xe]  }
0x39: {  	s16 =	rddreg [dreg:$0xa]  }
0x3a: {  	s17 =	rddreg [dreg:$0x9]  }
0x3b: {  	s18 =	rddreg [dreg:$0xc]  }
0x3c: {  	[tilespmem:s16], [sflag:$0x1] =	stream.indirect.gather [spmem:s3], $0x20, s17, s7, $0xb8;
	[tilespmem:$0x1EB80] =	vst v63  }
0x3d: {  	s19 =	rddreg [dreg:$0xb]  }
0x3e: {  	[tilespmem:s18], [sflag:$0x1] =	stream.indirect.gather [spmem:s3], $0x20, s19, s7, $0xb8;
	[tilespmem:$0x1EB80] =	vst v63  }
0x3f: {  	s17 =	rddreg [dreg:$0xd]  }
0x40: {  	[tilespmem:s15], [sflag:$0x1] =	stream.indirect.gather [spmem:s3], $0x20, s17, s7, $0xb8;
	[tilespmem:$0x1EB80] =	vst v63  }
0x41: {  	s19 =	rddreg [dreg:$0xf]  }
0x42: {  	[tilespmem:s14], [sflag:$0x1] =	stream.indirect.gather [spmem:s3], $0x20, s19, s7, $0xb8;
	[tilespmem:$0x1EB80] =	vst v63  }
0x43: {  	s18 =	rddreg [dreg:$0x11]  }
0x44: {  	[tilespmem:s13], [sflag:$0x1] =	stream.indirect.gather [spmem:s3], $0x20, s18, s7, $0xb8;
	[tilespmem:$0x1EB80] =	vst v63  }
0x45: {  	s19 =	rddreg [dreg:$0x13]  }
0x46: {  	[tilespmem:s12], [sflag:$0x1] =	stream.indirect.gather [spmem:s3], $0x20, s19, s7, $0xb8;
	[tilespmem:$0x1EB80] =	vst v63  }
0x47: {  	s16 =	rddreg [dreg:$0x15]  }
0x48: {  	[tilespmem:s11], [sflag:$0x1] =	stream.indirect.gather [spmem:s3], $0x20, s16, s7, $0xb8;
	[tilespmem:$0x1EB80] =	vst v63  }
0x49: {  	s17 =	rddreg [dreg:$0x17]  }
0x4a: {  	[tilespmem:s10], [sflag:$0x1] =	stream.indirect.gather [spmem:s3], $0x20, s17, s7, $0xb8;
	[tilespmem:$0x1EB80] =	vst v63  }
0x4b: {  	s18 =	rddreg [dreg:$0x19]  }
0x4c: {  	[tilespmem:s9], [sflag:$0x1] =	stream.indirect.gather [spmem:s3], $0x20, s18, s7, $0xb8;
	[tilespmem:$0x1EB80] =	vst v63  }
0x4d: {  	s19 =	rddreg [dreg:$0x1b]  }
0x4e: {  	[tilespmem:s8], [sflag:$0x1] =	stream.indirect.gather [spmem:s3], $0x20, s19, s7, $0xb8;
	[tilespmem:$0x1EB80] =	vst v63  }
0x4f: {  	s11 =	rddreg [dreg:$0x1d]  }
0x50: {  	[tilespmem:s1], [sflag:$0x1] =	stream.indirect.gather [spmem:s3], $0x20, s11, s7, $0xb8;
	[tilespmem:$0x1EB80] =	vst v63  }
0x51: {  	s13 =	simm.s32 $0xDC80;
	s12 =	rddreg [dreg:$0x1f]  }
0x52: {  	[tilespmem:s13], [sflag:$0x1] =	stream.indirect.gather [spmem:s3], $0x20, s12, s7, $0xb8;
	[tilespmem:$0x1EB80] =	vst v63  }
0x53: {  	s15 =	simm.s32 $0xEC80;
	s14 =	simm.s32 $0x700  }
0x54: {  	[tilespmem:s15], [sflag:$0x1] =	stream.indirect.gather [spmem:s3], $0x20, s14, s7, $0xb8;
	[tilespmem:$0x1EB80] =	vst v63  }
0x55: {  	s16 =	simm.s32 $0x780;
	s17 =	simm.s32 $0xFC80  }
0x56: {  	[tilespmem:s17], [sflag:$0x1] =	stream.indirect.gather [spmem:s3], $0x20, s16, s7, $0xb8;
	[tilespmem:$0x1EB80] =	vst v63  }
0x57: {  	s18 =	simm.s32 $0x800;
	s19 =	simm.s32 $0x10C80  }
0x58: {  	[tilespmem:s19], [sflag:$0x1] =	stream.indirect.gather [spmem:s3], $0x20, s18, s7, $0xb8;
	[tilespmem:$0x1EB80] =	vst v63  }
0x59: {  	s10 =	simm.s32 $0x11C80;
	s9 =	simm.s32 $0x880  }
0x5a: {  	[tilespmem:s10], [sflag:$0x1] =	stream.indirect.gather [spmem:s3], $0x20, s9, s7, $0xb8;
	[tilespmem:$0x1EB80] =	vst v63  }
0x5b: {  	s11 =	simm.s32 $0x900;
	s12 =	simm.s32 $0x12C80  }
0x5c: {  	[tilespmem:s12], [sflag:$0x1] =	stream.indirect.gather [spmem:s3], $0x20, s11, s7, $0xb8;
	[tilespmem:$0x1EB80] =	vst v63  }
0x5d: {  	s13 =	simm.s32 $0x980  }
0x5e: {  	[tilespmem:s20], [sflag:$0x1] =	stream.indirect.gather [spmem:s3], $0x20, s13, s7, $0xb8;
	[tilespmem:$0x1EB80] =	vst v63  }
0x5f: {  	_ = 	snop  }
0x60: {  	[tilespmem:s22], [sflag:$0x1] =	stream.indirect.gather [spmem:s3], $0x20, s21, s7, $0xb8;
	[tilespmem:$0x1EB80] =	vst v63  }
0x61: {  	_ = 	snop  }
0x62: {  	[tilespmem:s24], [sflag:$0x1] =	stream.indirect.gather [spmem:s3], $0x20, s23, s7, $0xb8;
	[tilespmem:$0x1EB80] =	vst v63  }
0x63: {  	_ = 	snop  }
0x64: {  	[tilespmem:s26], [sflag:$0x1] =	stream.indirect.gather [spmem:s3], $0x20, s25, s7, $0xb8;
	[tilespmem:$0x1EB80] =	vst v63  }
0x65: {  	_ = 	snop  }
0x66: {  	[tilespmem:s29], [sflag:$0x1] =	stream.indirect.gather [spmem:s3], $0x20, s28, s7, $0xb8;
	[tilespmem:$0x1EB80] =	vst v63  }
0x67: {  	_ = 	snop  }
0x68: {  	[tilespmem:s31], [sflag:$0x1] =	stream.indirect.gather [spmem:s3], $0x20, s30, s7, $0xb8;
	[tilespmem:$0x1EB80] =	vst v63  }
0x69: {  	_ =	swait.ge [sflag:s6], $0x1000  }
0x6a: {  	[sflag:s6] =	ssyncset.done $0x0  }
0x6b: {  	[sflag:s6] =	ssyncadd.s32 $0xFFFFF000  }
0x6c: {  	_ =	swait.ge [sflag:s6], $0x1000  }
0x6d: {  	[sflag:s6] =	ssyncset.done $0x0  }
0x6e: {  	[sflag:s6] =	ssyncadd.s32 $0xFFFFF000  }
0x6f: {  	_ =	swait.ge [sflag:s6], $0x1000  }
0x70: {  	[sflag:s6] =	ssyncset.done $0x0  }
0x71: {  	[sflag:s6] =	ssyncadd.s32 $0xFFFFF000  }
0x72: {  	_ =	swait.ge [sflag:s6], $0x1000  }
0x73: {  	[sflag:s6] =	ssyncset.done $0x0  }
0x74: {  	[sflag:s6] =	ssyncadd.s32 $0xFFFFF000  }
0x75: {  	_ =	swait.ge [sflag:s6], $0x1000  }
0x76: {  	[sflag:s6] =	ssyncset.done $0x0  }
0x77: {  	[sflag:s6] =	ssyncadd.s32 $0xFFFFF000  }
0x78: {  	_ =	swait.ge [sflag:s6], $0x1000  }
0x79: {  	[sflag:s6] =	ssyncset.done $0x0  }
0x7a: {  	[sflag:s6] =	ssyncadd.s32 $0xFFFFF000  }
0x7b: {  	_ =	swait.ge [sflag:s6], $0x1000  }
0x7c: {  	[sflag:s6] =	ssyncset.done $0x0  }
0x7d: {  	[sflag:s6] =	ssyncadd.s32 $0xFFFFF000  }
0x7e: {  	_ =	swait.ge [sflag:s6], $0x1000  }
0x7f: {  	[sflag:s6] =	ssyncset.done $0x0  }
0x80: {  	[sflag:s6] =	ssyncadd.s32 $0xFFFFF000  }
0x81: {  	_ =	swait.ge [sflag:s6], $0x1000  }
0x82: {  	[sflag:s6] =	ssyncset.done $0x0  }
0x83: {  	[sflag:s6] =	ssyncadd.s32 $0xFFFFF000  }
0x84: {  	_ =	swait.ge [sflag:s6], $0x1000  }
0x85: {  	[sflag:s6] =	ssyncset.done $0x0  }
0x86: {  	[sflag:s6] =	ssyncadd.s32 $0xFFFFF000  }
0x87: {  	_ =	swait.ge [sflag:s6], $0x1000  }
0x88: {  	[sflag:s6] =	ssyncset.done $0x0  }
0x89: {  	[sflag:s6] =	ssyncadd.s32 $0xFFFFF000  }
0x8a: {  	_ =	swait.ge [sflag:s6], $0x1000  }
0x8b: {  	[sflag:s6] =	ssyncset.done $0x0  }
0x8c: {  	[sflag:s6] =	ssyncadd.s32 $0xFFFFF000  }
0x8d: {  	_ =	swait.ge [sflag:s6], $0x1000  }
0x8e: {  	[sflag:s6] =	ssyncset.done $0x0  }
0x8f: {  	[sflag:s6] =	ssyncadd.s32 $0xFFFFF000  }
0x90: {  	_ =	swait.ge [sflag:s6], $0x1000  }
0x91: {  	[sflag:s6] =	ssyncset.done $0x0  }
0x92: {  	[sflag:s6] =	ssyncadd.s32 $0xFFFFF000  }
0x93: {  	_ =	swait.ge [sflag:s6], $0x1000  }
0x94: {  	[sflag:s6] =	ssyncset.done $0x0  }
0x95: {  	[sflag:s6] =	ssyncadd.s32 $0xFFFFF000  }
0x96: {  	_ =	swait.ge [sflag:s6], $0x1000  }
0x97: {  	[sflag:s6] =	ssyncset.done $0x0  }
0x98: {  	[sflag:s6] =	ssyncadd.s32 $0xFFFFF000  }
0x99: {  	_ =	swait.ge [sflag:s6], $0x1000  }
0x9a: {  	[sflag:s6] =	ssyncset.done $0x0  }
0x9b: {  	[sflag:s6] =	ssyncadd.s32 $0xFFFFF000  }
0x9c: {  	_ =	swait.ge [sflag:s6], $0x1000  }
0x9d: {  	[sflag:s6] =	ssyncset.done $0x0  }
0x9e: {  	[sflag:s6] =	ssyncadd.s32 $0xFFFFF000  }
0x9f: {  	_ =	swait.ge [sflag:s6], $0x1000  }
0xa0: {  	[sflag:s6] =	ssyncset.done $0x0  }
0xa1: {  	[sflag:s6] =	ssyncadd.s32 $0xFFFFF000  }
0xa2: {  	_ =	swait.ge [sflag:s6], $0x1000  }
0xa3: {  	[sflag:s6] =	ssyncset.done $0x0  }
0xa4: {  	[sflag:s6] =	ssyncadd.s32 $0xFFFFF000  }
0xa5: {  	_ =	swait.ge [sflag:s6], $0x1000  }
0xa6: {  	[sflag:s6] =	ssyncset.done $0x0  }
0xa7: {  	[sflag:s6] =	ssyncadd.s32 $0xFFFFF000  }
0xa8: {  	_ =	swait.ge [sflag:s6], $0x1000  }
0xa9: {  	[sflag:s6] =	ssyncset.done $0x0  }
0xaa: {  	[sflag:s6] =	ssyncadd.s32 $0xFFFFF000  }
0xab: {  	_ =	swait.ge [sflag:s6], $0x1000  }
0xac: {  	[sflag:s6] =	ssyncset.done $0x0  }
0xad: {  	[sflag:s6] =	ssyncadd.s32 $0xFFFFF000  }
0xae: {  	_ =	swait.ge [sflag:s6], $0x1000  }
0xaf: {  	[sflag:s6] =	ssyncset.done $0x0  }
0xb0: {  	[sflag:s6] =	ssyncadd.s32 $0xFFFFF000  }
0xb1: {  	_ =	swait.ge [sflag:s6], $0x1000  }
0xb2: {  	[sflag:s6] =	ssyncset.done $0x0  }
0xb3: {  	s14 =	rddreg [dreg:$0x6];
	[sflag:s6] =	ssyncadd.s32 $0xFFFFF000  }
0xb4: {  	[hbm4b:s14+s2] =	stream.linear.scatter [tilespmem:s5], [sflag:$0x2], $0x19000, $0x38;
	[tilespmem:$0x1EB80] =	vst v63  }
0xb5: {  	_ =	swait.ge [sflag:s4], $0x19000  }
0xb6: {  	s15 =	rddreg [dreg:$0x4]  }
0xb7: {  	[sflag:s4] =	ssyncset.done $0x0;
	s16 =	rddreg [dreg:$0x7]  }
0xb8: {  	s17 =	rddreg [dreg:$0x3];
	[sflag:s4] =	ssyncadd.s32 $0xFFFE7000  }
0xb9: {  	[spmem:s16], [sflag:s15] =	dma.local [hbm:s17], $0x9E0  }
0xba: {  	_ =	swait.ge [sflag:s4], $0x9E0  }
0xbb: {  	[sflag:s4] =	ssyncset.done $0x0  }
0xbc: {  	s18 =	rddreg [dreg:$0x5];
	[sflag:s4] =	ssyncadd.s32 $0xFFFFF620  }
0xbd: {  	[tilespmem:s2], [sflag:$0x2] =	stream.linear.gather [hbm4b:s18+s2], $0xC80, $0x38;
	[tilespmem:$0x1EB80] =	vst v63  }
0xbe: {  	_ =	swait.ge [sflag:s4], $0xC80  }
0xbf: {  	[sflag:s4] =	ssyncset.done $0x0  }
0xc0: {  	[sflag:s4] =	ssyncadd.s32 $0xFFFFF380  }
0xc1: {  	p0 =	sne.s32 s0, $0x1;
	[bflag:$0x0] =	sbarrier.arrive $0xFFFF  }
.Ltmp1:
0xc2: {  	s19 =	rddreg [dreg:$0x8];
	(pc) =	sbr.rel @p0 .LBB2_1-.Ltmp1, $4  }
0xc3: {  	[tilespmem:s5], [sflag:$0x1] =	stream.indirect.gather [spmem:s3], $0x20, s2, s7, $0xb8;
	[tilespmem:$0x1EB80] =	vst v63  }
0xc4: {  	s1 =	rddreg [dreg:$0x1e]  }
0xc5: {  	s0 =	sadd.s32 $0xFFFFFFFF, s0;
	s8 =	rddreg [dreg:$0x1c]  }
0xc6: {  	[tilespmem:s19], [sflag:$0x1] =	stream.indirect.gather [spmem:s3], $0x20, s7, s7, $0xb8;
	[tilespmem:$0x1EB80] =	vst v63  }
.LBB2_2:
0xc7: {  	s0 =	rddreg [dreg:$0xa]  }
0xc8: {  	s9 =	rddreg [dreg:$0x9]  }
0xc9: {  	s14 =	rddreg [dreg:$0xc]  }
0xca: {  	s15 =	rddreg [dreg:$0xb]  }
0xcb: {  	s10 =	rddreg [dreg:$0xe]  }
0xcc: {  	s11 =	rddreg [dreg:$0xd]  }
0xcd: {  	s16 =	rddreg [dreg:$0x10]  }
0xce: {  	s17 =	rddreg [dreg:$0xf]  }
0xcf: {  	s18 =	rddreg [dreg:$0x12]  }
0xd0: {  	s19 =	rddreg [dreg:$0x11]  }
0xd1: {  	[tilespmem:s0], [sflag:$0x1] =	stream.indirect.gather [spmem:s3], $0x20, s9, s7, $0xb8;
	[tilespmem:$0x1EB80] =	vst v63  }
0xd2: {  	s12 =	rddreg [dreg:$0x15]  }
0xd3: {  	[tilespmem:s14], [sflag:$0x1] =	stream.indirect.gather [spmem:s3], $0x20, s15, s7, $0xb8;
	[tilespmem:$0x1EB80] =	vst v63  }
0xd4: {  	s13 =	rddreg [dreg:$0x18]  }
0xd5: {  	[tilespmem:s10], [sflag:$0x1] =	stream.indirect.gather [spmem:s3], $0x20, s11, s7, $0xb8;
	[tilespmem:$0x1EB80] =	vst v63  }
0xd6: {  	s9 =	rddreg [dreg:$0x14]  }
0xd7: {  	[tilespmem:s16], [sflag:$0x1] =	stream.indirect.gather [spmem:s3], $0x20, s17, s7, $0xb8;
	[tilespmem:$0x1EB80] =	vst v63  }
0xd8: {  	s14 =	rddreg [dreg:$0x17]  }
0xd9: {  	[tilespmem:s18], [sflag:$0x1] =	stream.indirect.gather [spmem:s3], $0x20, s19, s7, $0xb8;
	[tilespmem:$0x1EB80] =	vst v63  }
0xda: {  	s10 =	rddreg [dreg:$0x13]  }
0xdb: {  	[tilespmem:s9], [sflag:$0x1] =	stream.indirect.gather [spmem:s3], $0x20, s10, s7, $0xb8;
	[tilespmem:$0x1EB80] =	vst v63  }
0xdc: {  	s11 =	rddreg [dreg:$0x16]  }
0xdd: {  	[tilespmem:s11], [sflag:$0x1] =	stream.indirect.gather [spmem:s3], $0x20, s12, s7, $0xb8;
	[tilespmem:$0x1EB80] =	vst v63  }
0xde: {  	s15 =	rddreg [dreg:$0x1a]  }
0xdf: {  	[tilespmem:s13], [sflag:$0x1] =	stream.indirect.gather [spmem:s3], $0x20, s14, s7, $0xb8;
	[tilespmem:$0x1EB80] =	vst v63  }
0xe0: {  	s16 =	rddreg [dreg:$0x19]  }
0xe1: {  	[tilespmem:s15], [sflag:$0x1] =	stream.indirect.gather [spmem:s3], $0x20, s16, s7, $0xb8;
	[tilespmem:$0x1EB80] =	vst v63  }
0xe2: {  	s17 =	rddreg [dreg:$0x1b]  }
0xe3: {  	[tilespmem:s8], [sflag:$0x1] =	stream.indirect.gather [spmem:s3], $0x20, s17, s7, $0xb8;
	[tilespmem:$0x1EB80] =	vst v63  }
0xe4: {  	s18 =	rddreg [dreg:$0x1d]  }
0xe5: {  	[tilespmem:s1], [sflag:$0x1] =	stream.indirect.gather [spmem:s3], $0x20, s18, s7, $0xb8;
	[tilespmem:$0x1EB80] =	vst v63  }
0xe6: {  	s19 =	rddreg [dreg:$0x1f];
	s8 =	simm.s32 $0xDC80  }
0xe7: {  	[tilespmem:s8], [sflag:$0x1] =	stream.indirect.gather [spmem:s3], $0x20, s19, s7, $0xb8;
	[tilespmem:$0x1EB80] =	vst v63  }
0xe8: {  	s9 =	simm.s32 $0x700;
	s10 =	simm.s32 $0xEC80  }
0xe9: {  	[tilespmem:s10], [sflag:$0x1] =	stream.indirect.gather [spmem:s3], $0x20, s9, s7, $0xb8;
	[tilespmem:$0x1EB80] =	vst v63  }
0xea: {  	s11 =	simm.s32 $0x780;
	s12 =	simm.s32 $0xFC80  }
0xeb: {  	[tilespmem:s12], [sflag:$0x1] =	stream.indirect.gather [spmem:s3], $0x20, s11, s7, $0xb8;
	[tilespmem:$0x1EB80] =	vst v63  }
0xec: {  	s13 =	simm.s32 $0x800;
	s14 =	simm.s32 $0x10C80  }
0xed: {  	[tilespmem:s14], [sflag:$0x1] =	stream.indirect.gather [spmem:s3], $0x20, s13, s7, $0xb8;
	[tilespmem:$0x1EB80] =	vst v63  }
0xee: {  	s15 =	simm.s32 $0x880;
	s16 =	simm.s32 $0x11C80  }
0xef: {  	[tilespmem:s16], [sflag:$0x1] =	stream.indirect.gather [spmem:s3], $0x20, s15, s7, $0xb8;
	[tilespmem:$0x1EB80] =	vst v63  }
0xf0: {  	s17 =	simm.s32 $0x900;
	s18 =	simm.s32 $0x12C80  }
0xf1: {  	[tilespmem:s18], [sflag:$0x1] =	stream.indirect.gather [spmem:s3], $0x20, s17, s7, $0xb8;
	[tilespmem:$0x1EB80] =	vst v63  }
0xf2: {  	s19 =	simm.s32 $0x980  }
0xf3: {  	[tilespmem:s20], [sflag:$0x1] =	stream.indirect.gather [spmem:s3], $0x20, s19, s7, $0xb8;
	[tilespmem:$0x1EB80] =	vst v63  }
0xf4: {  	_ = 	snop  }
0xf5: {  	[tilespmem:s22], [sflag:$0x1] =	stream.indirect.gather [spmem:s3], $0x20, s21, s7, $0xb8;
	[tilespmem:$0x1EB80] =	vst v63  }
0xf6: {  	_ = 	snop  }
0xf7: {  	[tilespmem:s24], [sflag:$0x1] =	stream.indirect.gather [spmem:s3], $0x20, s23, s7, $0xb8;
	[tilespmem:$0x1EB80] =	vst v63  }
0xf8: {  	_ = 	snop  }
0xf9: {  	[tilespmem:s26], [sflag:$0x1] =	stream.indirect.gather [spmem:s3], $0x20, s25, s7, $0xb8;
	[tilespmem:$0x1EB80] =	vst v63  }
0xfa: {  	_ = 	snop  }
0xfb: {  	[tilespmem:s29], [sflag:$0x1] =	stream.indirect.gather [spmem:s3], $0x20, s28, s7, $0xb8;
	[tilespmem:$0x1EB80] =	vst v63  }
0xfc: {  	_ = 	snop  }
0xfd: {  	[tilespmem:s31], [sflag:$0x1] =	stream.indirect.gather [spmem:s3], $0x20, s30, s7, $0xb8;
	[tilespmem:$0x1EB80] =	vst v63  }
0xfe: {  	_ =	swait.ge [sflag:s6], $0x1000  }
0xff: {  	[sflag:s6] =	ssyncset.done $0x0  }
0x100: {  	[sflag:s6] =	ssyncadd.s32 $0xFFFFF000  }
0x101: {  	_ =	swait.ge [sflag:s6], $0x1000  }
0x102: {  	[sflag:s6] =	ssyncset.done $0x0  }
0x103: {  	[sflag:s6] =	ssyncadd.s32 $0xFFFFF000  }
0x104: {  	_ =	swait.ge [sflag:s6], $0x1000  }
0x105: {  	[sflag:s6] =	ssyncset.done $0x0  }
0x106: {  	[sflag:s6] =	ssyncadd.s32 $0xFFFFF000  }
0x107: {  	_ =	swait.ge [sflag:s6], $0x1000  }
0x108: {  	[sflag:s6] =	ssyncset.done $0x0  }
0x109: {  	[sflag:s6] =	ssyncadd.s32 $0xFFFFF000  }
0x10a: {  	_ =	swait.ge [sflag:s6], $0x1000  }
0x10b: {  	[sflag:s6] =	ssyncset.done $0x0  }
0x10c: {  	[sflag:s6] =	ssyncadd.s32 $0xFFFFF000  }
0x10d: {  	_ =	swait.ge [sflag:s6], $0x1000  }
0x10e: {  	[sflag:s6] =	ssyncset.done $0x0  }
0x10f: {  	[sflag:s6] =	ssyncadd.s32 $0xFFFFF000  }
0x110: {  	_ =	swait.ge [sflag:s6], $0x1000  }
0x111: {  	[sflag:s6] =	ssyncset.done $0x0  }
0x112: {  	[sflag:s6] =	ssyncadd.s32 $0xFFFFF000  }
0x113: {  	_ =	swait.ge [sflag:s6], $0x1000  }
0x114: {  	[sflag:s6] =	ssyncset.done $0x0  }
0x115: {  	[sflag:s6] =	ssyncadd.s32 $0xFFFFF000  }
0x116: {  	_ =	swait.ge [sflag:s6], $0x1000  }
0x117: {  	[sflag:s6] =	ssyncset.done $0x0  }
0x118: {  	[sflag:s6] =	ssyncadd.s32 $0xFFFFF000  }
0x119: {  	_ =	swait.ge [sflag:s6], $0x1000  }
0x11a: {  	[sflag:s6] =	ssyncset.done $0x0  }
0x11b: {  	[sflag:s6] =	ssyncadd.s32 $0xFFFFF000  }
0x11c: {  	_ =	swait.ge [sflag:s6], $0x1000  }
0x11d: {  	[sflag:s6] =	ssyncset.done $0x0  }
0x11e: {  	[sflag:s6] =	ssyncadd.s32 $0xFFFFF000  }
0x11f: {  	_ =	swait.ge [sflag:s6], $0x1000  }
0x120: {  	[sflag:s6] =	ssyncset.done $0x0  }
0x121: {  	[sflag:s6] =	ssyncadd.s32 $0xFFFFF000  }
0x122: {  	_ =	swait.ge [sflag:s6], $0x1000  }
0x123: {  	[sflag:s6] =	ssyncset.done $0x0  }
0x124: {  	[sflag:s6] =	ssyncadd.s32 $0xFFFFF000  }
0x125: {  	_ =	swait.ge [sflag:s6], $0x1000  }
0x126: {  	[sflag:s6] =	ssyncset.done $0x0  }
0x127: {  	[sflag:s6] =	ssyncadd.s32 $0xFFFFF000  }
0x128: {  	_ =	swait.ge [sflag:s6], $0x1000  }
0x129: {  	[sflag:s6] =	ssyncset.done $0x0  }
0x12a: {  	[sflag:s6] =	ssyncadd.s32 $0xFFFFF000  }
0x12b: {  	_ =	swait.ge [sflag:s6], $0x1000  }
0x12c: {  	[sflag:s6] =	ssyncset.done $0x0  }
0x12d: {  	[sflag:s6] =	ssyncadd.s32 $0xFFFFF000  }
0x12e: {  	_ =	swait.ge [sflag:s6], $0x1000  }
0x12f: {  	[sflag:s6] =	ssyncset.done $0x0  }
0x130: {  	[sflag:s6] =	ssyncadd.s32 $0xFFFFF000  }
0x131: {  	_ =	swait.ge [sflag:s6], $0x1000  }
0x132: {  	[sflag:s6] =	ssyncset.done $0x0  }
0x133: {  	[sflag:s6] =	ssyncadd.s32 $0xFFFFF000  }
0x134: {  	_ =	swait.ge [sflag:s6], $0x1000  }
0x135: {  	[sflag:s6] =	ssyncset.done $0x0  }
0x136: {  	[sflag:s6] =	ssyncadd.s32 $0xFFFFF000  }
0x137: {  	_ =	swait.ge [sflag:s6], $0x1000  }
0x138: {  	[sflag:s6] =	ssyncset.done $0x0  }
0x139: {  	[sflag:s6] =	ssyncadd.s32 $0xFFFFF000  }
0x13a: {  	_ =	swait.ge [sflag:s6], $0x1000  }
0x13b: {  	[sflag:s6] =	ssyncset.done $0x0  }
0x13c: {  	[sflag:s6] =	ssyncadd.s32 $0xFFFFF000  }
0x13d: {  	_ =	swait.ge [sflag:s6], $0x1000  }
0x13e: {  	[sflag:s6] =	ssyncset.done $0x0  }
0x13f: {  	[sflag:s6] =	ssyncadd.s32 $0xFFFFF000  }
0x140: {  	_ =	swait.ge [sflag:s6], $0x1000  }
0x141: {  	[sflag:s6] =	ssyncset.done $0x0  }
0x142: {  	[sflag:s6] =	ssyncadd.s32 $0xFFFFF000  }
0x143: {  	_ =	swait.ge [sflag:s6], $0x1000  }
0x144: {  	[sflag:s6] =	ssyncset.done $0x0  }
0x145: {  	[sflag:s6] =	ssyncadd.s32 $0xFFFFF000  }
0x146: {  	_ =	swait.ge [sflag:s6], $0x1000  }
0x147: {  	[sflag:s6] =	ssyncset.done $0x0  }
0x148: {  	s30 =	rddreg [dreg:$0x6];
	[sflag:s6] =	ssyncadd.s32 $0xFFFFF000  }
0x149: {  	[hbm4b:s30+s2] =	stream.linear.scatter [tilespmem:s5], [sflag:$0x2], $0x19000, $0x38;
	[tilespmem:$0x1EB80] =	vst v63  }
0x14a: {  	_ =	swait.ge [sflag:s4], $0x19000  }
0x14b: {  	[sflag:s4] =	ssyncset.done $0x0  }
0x14c: {  	[sflag:s4] =	ssyncadd.s32 $0xFFFE7000  }
0x14d: {  	_ =	sfence.sel $0x180000  }
0x14e: {  	[bflag:$0x0] =	sbarrier.arrive $0xFFFF  }
0x14f: {  	_ =	strace $0x9000004D  }
0x150: {  	s31 =	stileid.u32;
	[bflag:$0x2] =	sbarrier.arrive $0xFFFF  }
0x151: {  	p0 =	sne.s32 s31, $0x0;
	s0 =	rddreg [dreg:$0x2]  }
0x152: {  	s0 =	sadd.s32 @!p0 $0x100000, s0  }
0x153: {  	[sflag:s0] =	ssyncadd.tile.s32 @!p0 $0x1;
	_ =	shalt  }
.Lfunc_end2:
_tile_overlayer_lowered:
.L_overlay_start_2:
0x154: {  	(tag) =	ssettag $0x2  }
0x155: {  	s0 =	rddreg [dreg:$0x0];
	s2 =	stileid.u32  }
0x156: {  	s1 =	rddreg [dreg:$0x1];
	p0 =	sne.s32 s2, $0x0  }
0x157: {  	s3 =	rddreg [dreg:$0x2];
	[bflag:$0x3] =	sbarrier.arrive $0xFFFF;
	s2 =	simm.s32 @!p0 $0x1C02  }
0x158: {  	[timem:s3], [sflag:s2] =	dma.local @!p0 [hbm:s0], s1  }
0x159: {  	s0 =	simm.s32 @!p0 $0x2  }
0x15a: {  	_ =	swait.ge @!p0 [sflag:s0], s1  }
0x15b: {  	s1 =	ssub.s32 @!p0 $0x0, s1;
	[sflag:s0] =	ssyncset.done @!p0 $0x0  }
0x15c: {  	[sflag:s0] =	ssyncadd.s32 @!p0 s1  }
0x15d: {  	[bflag:$0x3] =	sbarrier.arrive $0xFFFF  }
0x15e: {  	_ =	shalt  }

// kernel: kernel.20.cloned.1.call-start
scs
__scs_entry_jumppad:
0x0: {  	(pc) =	sbr.rel $0x88, $3  }
0x1: {  	(tag) =	ssettag $0x0;
	lr =	simm.s32 $0x1  }
0x2: {  	[smem:$0x3F95] =	sst lr;
	_ =	strace $0xD0000000  }
0x3: {  	_ = 	snop  }
0x4: {  	_ = 	snop  }
0x5: {  	_ = 	snop  }
0x6: {  	_ = 	snop  }
0x7: {  	_ = 	snop  }
__scs_overlays_trampoline_lowered:
0x8: {  	[smem:$0x3FA4] =	sst s0  }
0x9: {  	[smem:$0x3FA5] =	sst s1  }
0xa: {  	[smem:$0x3FA6] =	sst s2  }
0xb: {  	[smem:$0x3FA7] =	sst s3  }
0xc: {  	[smem:$0x3FA8] =	sst s4  }
0xd: {  	[smem:$0x3FA9] =	sst s5  }
0xe: {  	[smem:$0x3FAA] =	sst s6  }
0xf: {  	[smem:$0x3FAB] =	sst s7  }
0x10: {  	[smem:$0x3FAC] =	sst s8  }
0x11: {  	[smem:$0x3FAD] =	sst s9;
	s0 =	simm.s32 @!p0 $0x0  }
0x12: {  	s1 =	sld [smem:$0x3F93];
	s0 =	simm.s32 @p0 $0x1  }
0x13: {  	[smem:$0x3FAE] =	sst s0;
	s0 =	simm.s32 @!p1 $0x0  }
0x14: {  	s2 =	sld [smem:$0x3F92];
	s0 =	simm.s32 @p1 $0x1  }
0x15: {  	[smem:$0x3FAF] =	sst s0;
	s0 =	simm.s32 @!p2 $0x0  }
0x16: {  	s3 =	sld [smem:$0x3FDB];
	s0 =	simm.s32 @p2 $0x1  }
0x17: {  	s4 =	simm.s32 $0x1BF5;
	[smem:$0x3FB1] =	sst s0  }
0x18: {  	s0 =	sld [smem:$0x3F94];
	_ =	swait.ge [sflag:s4], $0x0  }
0x19: {  	s7 =	sld [smem:$0x3F95]  }
0x1a: {  	s8 =	sadd.s32 $0xFFFFE003, lr  }
0x1b: {  	s9 =	sadd.s32 $0xFFFFFEF7, lr;
	s5 =	simm.s32 $0xFFFFFFFF;
	p2 =	slt.u32 s8, $0xFFFFF086  }
0x1c: {  	p1 =	slt.u32 s9, $0xF7A;
	s5 =	simm.s32 @!p2 $0x0  }
0x1d: {  	s5 =	simm.s32 @p1 $0x1;
	p0 =	seq.s32 s7, s2  }
0x1e: {  	s7 =	smul.u32 @!p0 $0xF7A, s2;
	p2 =	seq.s32 @!p0 s5, $0x0  }
0x1f: {  	s9 =	smul.u32 $0xF7A, s1;
	s8 =	simm.s32 @!p0 $0x1BF5;
	p2 =	por !p2, p0  }
0x20: {  	[sflag:s8] =	ssyncset.s32 @!p0 $0xFFFFF086;
	s6 =	sadd.s32 @!p0 s3, s7;
	s7 =	simm.s32 @!p0 $0x108  }
0x21: {  	s3 =	sadd.s32 s3, s9;
	s6 =	sadd.s32 @!p0 $0x88, s6;
	s7 =	simm.s32 @p2 $0x1082  }
0x22: {  	[simem:s7], [sflag:s8] =	dma.local @!p0 [hbm:s6], $0xF7A  }
0x23: {  	s9 =	sor.u32 $0xD0000000, s2;
	s6 =	simm.s32 $0x108;
	_ =	swait.ge @!p0 [sflag:s8], $0x0  }
0x24: {  	s3 =	sadd.s32 $0x88, s3;
	s6 =	simm.s32 @!p1 $0x1082;
	[sflag:s4] =	ssyncset.s32 $0xFFFFF086  }
0x25: {  	[simem:s6], [sflag:s4] =	dma.local [hbm:s3], $0xF7A  }
0x26: {  	[smem:$0x3F95] =	sst s1;
	(tag) =	ssettag s2;
	_ =	strace s9  }
0x27: {  	s1 =	sld [smem:$0x3FA5]  }
0x28: {  	s2 =	sld [smem:$0x3FA6]  }
0x29: {  	s4 =	sld [smem:$0x3FA8]  }
0x2a: {  	p0 =	seq.s32 s5, $0x0;
	s5 =	sld [smem:$0x3FA9]  }
0x2b: {  	s6 =	sld [smem:$0x3FAA]  }
0x2c: {  	s7 =	sld [smem:$0x3FAB]  }
0x2d: {  	s3 =	simm.s32 $0x108;
	s8 =	sld [smem:$0x3FAC]  }
0x2e: {  	s3 =	simm.s32 @!p0 $0x1082;
	s9 =	sld [smem:$0x3FAD]  }
0x2f: {  	lr =	sadd.s32 s0, s3;
	s0 =	sld [smem:$0x3FA4]  }
0x30: {  	s3 =	sld [smem:$0x3FA7]  }
0x31: {  	[smem:$0x3FB0] =	sst s10  }
0x32: {  	s10 =	sld [smem:$0x3FAE];
	_ =	sdelay $0x3  }
0x33: {  	p0 =	seq.s32 s10, $0x1;
	s10 =	sld [smem:$0x3FB0];
	_ =	sdelay $0x3  }
0x34: {  	[smem:$0x3FB0] =	sst s10  }
0x35: {  	s10 =	sld [smem:$0x3FAF];
	_ =	sdelay $0x3  }
0x36: {  	p1 =	seq.s32 s10, $0x1;
	s10 =	sld [smem:$0x3FB0];
	_ =	sdelay $0x3  }
0x37: {  	[smem:$0x3FB0] =	sst s10  }
0x38: {  	s10 =	sld [smem:$0x3FB1]  }
0x39: {  	_ = 	snop;
	(pc) =	sbr.ind lr, $3  }
0x3a: {  	_ = 	snop  }
0x3b: {  	_ = 	snop  }
0x3c: {  	p2 =	seq.s32 s10, $0x1;
	s10 =	sld [smem:$0x3FB0]  }
0x3d: {  	_ =	shalt  }
0x3e: {  	_ =	shalt  }
0x3f: {  	_ =	shalt  }
0x40: {  	_ =	shalt  }
0x41: {  	_ =	shalt  }
0x42: {  	_ =	shalt  }
0x43: {  	_ =	shalt  }
0x44: {  	_ =	shalt  }
0x45: {  	_ =	shalt  }
0x46: {  	_ =	shalt  }
0x47: {  	_ =	shalt  }
0x48: {  	_ =	shalt  }
0x49: {  	_ =	shalt  }
0x4a: {  	_ =	shalt  }
0x4b: {  	_ =	shalt  }
0x4c: {  	_ =	shalt  }
0x4d: {  	_ =	shalt  }
0x4e: {  	_ =	shalt  }
0x4f: {  	_ =	shalt  }
0x50: {  	_ =	shalt  }
0x51: {  	_ =	shalt  }
0x52: {  	_ =	shalt  }
0x53: {  	_ =	shalt  }
0x54: {  	_ =	shalt  }
0x55: {  	_ =	shalt  }
0x56: {  	_ =	shalt  }
0x57: {  	_ =	shalt  }
0x58: {  	_ =	shalt  }
0x59: {  	_ =	shalt  }
0x5a: {  	_ =	shalt  }
0x5b: {  	_ =	shalt  }
0x5c: {  	_ =	shalt  }
0x5d: {  	_ =	shalt  }
0x5e: {  	_ =	shalt  }
0x5f: {  	_ =	shalt  }
0x60: {  	_ =	shalt  }
0x61: {  	_ =	shalt  }
0x62: {  	_ =	shalt  }
0x63: {  	_ =	shalt  }
0x64: {  	_ =	shalt  }
0x65: {  	_ =	shalt  }
0x66: {  	_ =	shalt  }
0x67: {  	_ =	shalt  }
0x68: {  	_ =	shalt  }
0x69: {  	_ =	shalt  }
0x6a: {  	_ =	shalt  }
0x6b: {  	_ =	shalt  }
0x6c: {  	_ =	shalt  }
0x6d: {  	_ =	shalt  }
0x6e: {  	_ =	shalt  }
0x6f: {  	_ =	shalt  }
0x70: {  	_ =	shalt  }
0x71: {  	_ =	shalt  }
0x72: {  	_ =	shalt  }
0x73: {  	_ =	shalt  }
0x74: {  	_ =	shalt  }
0x75: {  	_ =	shalt  }
0x76: {  	_ =	shalt  }
0x77: {  	_ =	shalt  }
0x78: {  	_ =	shalt  }
0x79: {  	_ =	shalt  }
0x7a: {  	_ =	shalt  }
0x7b: {  	_ =	shalt  }
0x7c: {  	_ =	shalt  }
0x7d: {  	_ =	shalt  }
0x7e: {  	_ =	shalt  }
0x7f: {  	_ =	shalt  }
0x80: {  	_ =	shalt  }
0x81: {  	_ =	shalt  }
0x82: {  	_ =	shalt  }
0x83: {  	_ =	shalt  }
0x84: {  	_ =	shalt  }
0x85: {  	_ =	shalt  }
0x86: {  	_ =	shalt  }
0x87: {  	_ =	shalt  }
.Lfunc_end0:
.L_simem_size_0:
called_computation.3_lowered:
.L_overlay_start_0:
0x88: {  	s2 =	sld [smem:$0x3FD9]  }
0x89: {  	s3 =	sld [smem:$0x3FFE];
	_ =	sdelay $0x1  }
0x8a: {  	s1 =	srdreg.scid  }
0x8b: {  	s0 =	sand.u32 $0x1, s1  }
0x8c: {  	s17 =	sshll.u32 s0, $0xA;
	s2 =	sadd.s32 s3, s2  }
0x8d: {  	s2 =	sadd.s32 s2, s17  }
0x8e: {  	[smem:$0x3FBC] =	sst s2  }
0x8f: {  	_ = 	snop  }
0x90: {  	s2 =	sld [smem:$0x3FD0];
	(tm) =	ssettm $0x1  }
0x91: {  	s18 =	sld [smem:$0x3FFB];
	_ =	sdelay $0x3  }
0x92: {  	_ =	strace s18  }
0x93: {  	s3 =	sld [smem:$0x3FFC];
	_ =	sdelay $0x3  }
0x94: {  	_ =	strace s3  }
0x95: {  	s3 =	sld [smem:$0x3FFD];
	_ =	sdelay $0x3  }
0x96: {  	_ =	strace s3  }
0x97: {  	_ =	strace $0x8FFFFFFF  }
0x98: {  	s19 =	sld [smem:$0x3FDB];
	_ =	sdelay $0x1  }
0x99: {  	s4 =	simm.s32 $_scs_section_size  }
0x9a: {  	s5 =	simm.s32 $_size__tile_overlayer_lowered;
	s6 =	simm.s32 $_tile_overlayer_lowered  }
0x9b: {  	s22 =	simm.s32 $0x1BFF;
	s21 =	sshll.u32 s6, $0x1;
	s3 =	sadd.s32 s4, s19  }
0x9c: {  	s7 =	simm.s32 $0x0;
	s20 =	sshll.u32 s5, $0x1;
	s5 =	sadd.s32 s21, s3  }
0x9d: {  	[timem:s7], [sflag:s22] =	dma.local [hbm:s5], s20  }
0x9e: {  	_ =	swait.ge [sflag:s22], s20  }
0x9f: {  	s4 =	ssub.s32 $0x0, s20;
	[sflag:s22] =	ssyncset.done $0x0  }
0xa0: {  	[sflag:s22] =	ssyncadd.s32 s4;
	_ =	sdelay $0x1  }
0xa1: {  	s23 =	simm.s32 $0x1B8B  }
0xa2: {  	_ =	swait.ge [sflag:s23], $0x1  }
0xa3: {  	[sflag:s23] =	ssyncset.done $0x0  }
0xa4: {  	s25 =	simm.s32 $0x1B8E;
	s24 =	sld [smem:$0x3FFE];
	[sflag:s23] =	ssyncadd.s32 $0xFFFFFFFF  }
0xa5: {  	s26 =	simm.s32 $execute0_lowered;
	[smem:$0x3FD2] =	sst s25  }
0xa6: {  	s5 =	sshll.u32 s26, $0x1;
	_ =	strace $0x8000004F;
	[dreg:$0x1] =	wrdreg $0xFFFFFFFF  }
0xa7: {  	s28 =	simm.s32 $_size_execute0_lowered;
	s3 =	sadd.s32 s3, s5;
	[dreg:$0x0] =	wrdreg $0x0  }
0xa8: {  	s5 =	sshll.u32 s28, $0x1;
	[dreg:$0x2] =	wrdreg s3  }
0xa9: {  	[dreg:$0x3] =	wrdreg s5  }
0xaa: {  	[dreg:$0x4] =	wrdreg $0xC0  }
0xab: {  	_ =	task [dreg:s7], $0x5FFFF  }
0xac: {  	[dreg:$0x1] =	wrdreg $0xFFFFFFFF  }
0xad: {  	[dreg:$0x0] =	wrdreg $0x60  }
0xae: {  	[dreg:$0x2] =	wrdreg s24  }
0xaf: {  	[dreg:$0x3] =	wrdreg s2  }
0xb0: {  	[dreg:$0x4] =	wrdreg $0x19C800  }
0xb1: {  	[dreg:$0x5] =	wrdreg $0x9  }
0xb2: {  	_ =	task.clear_ibuf [dreg:s7], $0x6FFFF;
	_ =	strace $0x9000004F  }
0xb3: {  	s29 =	simm.s32 $0x9;
	_ =	strace $0x80000051  }
0xb4: {  	_ =	swait.ge [sflag:s29], $0x1  }
0xb5: {  	[sflag:s29] =	ssyncadd.s32 $0xFFFFFFFF  }
0xb6: {  	_ =	strace $0x90000051  }
0xb7: {  	_ =	sfence  }
0xb8: {  	s30 =	sld [smem:$0x0];
	_ =	sdelay $0x2  }
0xb9: {  	s31 =	sshll.u32 s1, $0xD;
	s1 =	sshrl.u32 s1, $0x2  }
0xba: {  	s3 =	sand.u32 $0x4000, s31;
	s1 =	sadd.s32 s1, s30  }
0xbb: {  	s0 =	sor.u32 s3, s0;
	s1 =	sshll.u32 s1, $0x11  }
0xbc: {  	s0 =	sor.u32 s1, s0  }
0xbd: {  	s0 =	sadd.s32 $0x8F2B, s0  }
0xbe: {  	[sflag:s0] =	ssyncadd.remote.s32 $0x1  }
0xbf: {  	_ =	sfence.sel $0xFFFF  }
0xc0: {  	[dreg:$0x0] =	wrdreg $0xFFFFFFFF;
	(pc) =	sbr.abs _section_cstart, $3  }
0xc1: {  	[dreg:$0x1] =	wrdreg $0xFFFFFFFF  }
0xc2: {  	_ =	task.clear_ibuf [dreg:s7], $0x2FFFF;
	_ =	strace $0x9FFFFFFF  }
0xc3: {  	(tm) =	ssettm $0x7FFFFFFF  }
tec
execute0_lowered:
.L_overlay_start_1:
0x0: {  	(tag) =	ssettag $0x1  }
0x1: {  	s5 =	rddreg [dreg:$0x0]  }
0x2: {  	s6 =	rddreg [dreg:$0x1]  }
0x3: {  	s0 =	srdreg.scid;
	s2 =	rddreg [dreg:$0x2]  }
0x4: {  	s3 =	simm.s32 $0x0;
	s4 =	sand.u32 $0x1, s0;
	s0 =	stileid.u32  }
0x5: {  	s13 =	simm.s32 $0x0;
	[smem:$0x7FF] =	sst s3;
	s9 =	smul.u32 $0x4F00, s0  }
0x6: {  	s1 =	sshll.u32 s4, $0x4;
	s10 =	smul.u32 $0x4F000, s4;
	s4 =	ssub.s32 $0x2, s4  }
0x7: {  	s31 =	sshll.u32 s0, $0x6;
	s7 =	sor.u32 s0, s1;
	s1 =	rddreg [dreg:$0x3]  }
0x8: {  	_ =	strace $0x80000050;
	s11 =	sshrl.u32 s4, $0x1;
	s8 =	smul.u32 $0x3200, s7  }
0x9: {  	s7 =	smul.u32 $0x190, s7;
	s10 =	sadd.s32 s9, s10;
	s11 =	ssub.s32 s4, s11  }
0xa: {  	s30 =	sshrl.u32 s9, $0x3;
	s12 =	sadd.s32 s9, s2;
	s10 =	sshrl.u32 s10, $0x3  }
0xb: {  	s4 =	sadd.s32 s6, s30;
	s9 =	smax.u32 s11, $0x1;
	s11 =	simm.s32 $0x1  }
0xc: {  	s8 =	sadd.s32 s8, s5;
	s7 =	sadd.s32 s7, s5;
	s10 =	sadd.s32 s10, s5  }
0xd: {  	s5 =	sor.u32 $0x1C01, s31;
	s6 =	sadd.s32 $0x2DA00, s7;
	s7 =	sadd.s32 $0x30C00, s8  }
0xe: {  	s8 =	sadd.s32 $0x94C00, s10;
	s10 =	sshrl.u32 s12, $0x3;
	s12 =	simm.s32 $0x80  }
.LBB2_1:
0xf: {  	[spmem:s10], [sflag:s5] =	dma.local [hbm:s4], $0x9E0  }
0x10: {  	_ =	swait.ge [sflag:s11], $0x9E0  }
0x11: {  	[sflag:s11] =	ssyncset.done $0x0  }
0x12: {  	[sflag:s11] =	ssyncadd.s32 $0xFFFFF620  }
0x13: {  	[bflag:$0x0] =	sbarrier.arrive $0xFFFF  }
0x14: {  	[tilespmem:s3], [sflag:$0x1] =	stream.linear.gather [hbm4b:s6+s3], $0xC80, $0x38;
	[tilespmem:$0x1EB80] =	vst v63  }
0x15: {  	_ =	swait.ge [sflag:s11], $0xC80  }
0x16: {  	[sflag:s11] =	ssyncset.done $0x0  }
0x17: {  	s14 =	simm.s32 $0xC80;
	[sflag:s11] =	ssyncadd.s32 $0xFFFFF380  }
0x18: {  	[tilespmem:s14], [sflag:$0x1] =	stream.linear.gather [hbm4b:s7+s3], $0x19000, $0x38;
	[tilespmem:$0x1EB80] =	vst v63  }
0x19: {  	_ =	swait.ge [sflag:s11], $0x19000  }
0x1a: {  	[sflag:s11] =	ssyncset.done $0x0  }
0x1b: {  	s15 =	simm.s32 $0x0;
	[sflag:s11] =	ssyncadd.s32 $0xFFFE7000  }
0x1c: {  	[spmem:s2] =	stream.indirect.scatter.add.f32 [tilespmem:s14], [sflag:$0x1], $0x20, s15, s12, $0xb8;
	[tilespmem:$0x1EB80] =	vst v63  }
0x1d: {  	_ =	swait.ge [sflag:s11], $0x1000  }
0x1e: {  	s15 =	simm.s32 $0x200;
	[sflag:s11] =	ssyncset.done $0x0  }
.LBB2_2:
0x1f: {  	s16 =	sshra.s32 s15, $0x2  }
0x20: {  	[sflag:s11] =	ssyncadd.s32 $0xFFFFF000;
	s14 =	sadd.s32 $0x1000, s14;
	p0 =	sne.s32 s15, $0x3000  }
0x21: {  	[spmem:s2] =	stream.indirect.scatter.add.f32 [tilespmem:s14], [sflag:$0x1], $0x20, s16, s12, $0xb8;
	[tilespmem:$0x1EB80] =	vst v63  }
.Ltmp0:
0x22: {  	_ = 	snop;
	(pc) =	sbr.rel @p0 .LBB2_2-.Ltmp0, $4  }
0x23: {  	_ = 	snop  }
0x24: {  	s15 =	sadd.s32 $0x200, s15  }
0x25: {  	_ =	swait.ge [sflag:s11], $0x1000  }
0x26: {  	[sflag:s11] =	ssyncset.done $0x0  }
0x27: {  	s13 =	sadd.s32 $0x1, s13  }
0x28: {  	[sflag:s11] =	ssyncadd.s32 $0xFFFFF000;
	p0 =	sne.s32 s13, s9  }
.Ltmp1:
0x29: {  	[bflag:$0x0] =	sbarrier.arrive $0xFFFF;
	(pc) =	sbr.rel @p0 .LBB2_1-.Ltmp1, $4  }
0x2a: {  	[hbm:s8], [sflag:s5] =	dma.local [spmem:s10], $0x9E0  }
0x2b: {  	_ =	swait.ge [sflag:s11], $0x9E0  }
0x2c: {  	[sflag:s11] =	ssyncset.done $0x0  }
0x2d: {  	[sflag:s11] =	ssyncadd.s32 $0xFFFFF620  }
0x2e: {  	_ =	sfence.sel $0x180000  }
0x2f: {  	[bflag:$0x0] =	sbarrier.arrive $0xFFFF  }
0x30: {  	p0 =	sne.s32 s0, $0x0;
	_ =	strace $0x90000050  }
0x31: {  	s0 =	sadd.s32 @!p0 $0x100000, s1;
	[bflag:$0x2] =	sbarrier.arrive $0xFFFF  }
0x32: {  	[sflag:s0] =	ssyncadd.tile.s32 @!p0 $0x1;
	_ =	shalt  }
.Lfunc_end2:
_tile_overlayer_lowered:
.L_overlay_start_2:
0x33: {  	(tag) =	ssettag $0x2  }
0x34: {  	s0 =	rddreg [dreg:$0x0];
	s2 =	stileid.u32  }
0x35: {  	s1 =	rddreg [dreg:$0x1];
	p0 =	sne.s32 s2, $0x0  }
0x36: {  	s3 =	rddreg [dreg:$0x2];
	[bflag:$0x3] =	sbarrier.arrive $0xFFFF;
	s2 =	simm.s32 @!p0 $0x1C01  }
0x37: {  	[timem:s3], [sflag:s2] =	dma.local @!p0 [hbm:s0], s1  }
0x38: {  	s0 =	simm.s32 @!p0 $0x1  }
0x39: {  	_ =	swait.ge @!p0 [sflag:s0], s1  }
0x3a: {  	s1 =	ssub.s32 @!p0 $0x0, s1;
	[sflag:s0] =	ssyncset.done @!p0 $0x0  }
0x3b: {  	[sflag:s0] =	ssyncadd.s32 @!p0 s1  }
0x3c: {  	[bflag:$0x3] =	sbarrier.arrive $0xFFFF  }
0x3d: {  	_ =	shalt  }

</sc_bundles>
